<compile_context>
chip_gen: v7x
topology: tpu7x:2x2x1
jax: 0.10.2.dev20260603
libtpu: 0.0.44.dev20260713+nightly
codegen_flags: <defaults>
</compile_context>

<pallas_src>
import functools

import jax
import jax.numpy as jnp
from jax import lax
from jax.experimental import pallas as pl
from jax.experimental.pallas import tpu as pltpu
from jax.experimental.pallas import tpu_sc as plsc

N = 10000
E = 320000
D = 128
DW = D // 2

NUM_CORES = 2
NUM_SUBCORES = 16
NW = NUM_CORES * NUM_SUBCORES

SUB = 128
SUPER = 1024
SUBS_PER_SUPER = SUPER // SUB
E_PER_W = 10240
E_PAD = NW * E_PER_W
SUPERS = E_PER_W // SUPER
N_PAD = 10240
ROWS_PER_TILE = N_PAD // NUM_SUBCORES


def _sc_aggregate(xpk, src, dst2d, w):
    mesh = plsc.VectorSubcoreMesh(core_axis_name="c", subcore_axis_name="s")

    @functools.partial(
        pl.kernel,
        out_type=jax.ShapeDtypeStruct((NUM_CORES, N_PAD, D), jnp.float32),
        mesh=mesh,
        compiler_params=pltpu.CompilerParams(
            needs_layout_passes=False, use_tc_tiling_on_sc=False),
        scratch_types=[
            pltpu.VMEM((SUPER,), jnp.int32),
            pltpu.VMEM((SUPER,), jnp.float32),
            pltpu.VMEM((E_PER_W // 128, 128), jnp.int32),
            pltpu.VMEM((SUB, DW), jnp.int32),
            pltpu.VMEM((SUB, DW), jnp.int32),
            pltpu.VMEM((SUB, D), jnp.float32),
            pltpu.VMEM_SHARED((N_PAD, D), jnp.float32),
            pltpu.SemaphoreType.DMA,
        ],
    )
    def body(x_hbm, src_hbm, dst_hbm, w_hbm, out_hbm, src_v, w_v, dst_v,
             rows_a, rows_b, scaled_v, acc_sh, sem):
        cid = lax.axis_index("c")
        sid = lax.axis_index("s")
        wid = cid * NUM_SUBCORES + sid
        ebase = pl.multiple_of(wid * E_PER_W, E_PER_W)
        bufs = (rows_a, rows_b)

        def _zero_rows(i, _):
            for k in range(D // 16):
                scaled_v[i, pl.ds(k * 16, 16)] = jnp.zeros((16,), jnp.float32)
            return 0
        lax.fori_loop(0, SUB, _zero_rows, 0)
        r0 = pl.multiple_of(sid * ROWS_PER_TILE, ROWS_PER_TILE)
        for z in range(ROWS_PER_TILE // SUB):
            pltpu.sync_copy(scaled_v, acc_sh.at[pl.ds(r0 + z * SUB, SUB)])

        dstbase = pl.multiple_of(wid * (E_PER_W // 128), E_PER_W // 128)
        pltpu.sync_copy(dst_hbm.at[pl.ds(dstbase, E_PER_W // 128)], dst_v)
        plsc.subcore_barrier()

        def _gather(k, buf):
            return pltpu.make_async_copy(
                x_hbm.at[src_v.at[pl.ds(k * SUB, SUB)]], buf, sem)

        def _scale_buf(buf, k):
            def _scale(i, _):
                wsplat = plsc.load_gather(
                    w_v, [jnp.full((16,), k * SUB + i, jnp.int32)])
                for q in range(DW // 16):
                    pk = buf[i, pl.ds(q * 16, 16)]
                    pb = plsc.bitcast(pk, jnp.bfloat16)
                    ev, od = plsc.unpack(
                        pb, format=plsc.PackFormat.INTERLEAVED,
                        preferred_element_type=jnp.float32)
                    scaled_v[i, pl.ds(q * 16, 16)] = ev * wsplat
                    scaled_v[i, pl.ds(DW + q * 16, 16)] = od * wsplat
                return 0
            lax.fori_loop(0, SUB, _scale, 0)

        def _super(g, _):
            e0 = ebase + g * SUPER
            pltpu.sync_copy(src_hbm.at[pl.ds(e0, SUPER)], src_v)
            pltpu.sync_copy(w_hbm.at[pl.ds(e0, SUPER)], w_v)

            _gather(0, rows_a).start()
            for s in range(SUBS_PER_SUPER):
                buf = bufs[s % 2]
                _gather(s, buf).wait()
                if s + 1 < SUBS_PER_SUPER:
                    _gather(s + 1, bufs[(s + 1) % 2]).start()
                _scale_buf(buf, s)
                pltpu.sync_copy(
                    scaled_v, acc_sh.at[dst_v.at[g * SUBS_PER_SUPER + s]],
                    add=True)
            return 0
        lax.fori_loop(0, SUPERS, _super, 0)

        plsc.subcore_barrier()

        @pl.when(cid == 0)
        def _():
            pltpu.sync_copy(acc_sh.at[pl.ds(r0, ROWS_PER_TILE)],
                            out_hbm.at[0, pl.ds(r0, ROWS_PER_TILE)])

        @pl.when(cid == 1)
        def _():
            pltpu.sync_copy(acc_sh.at[pl.ds(r0, ROWS_PER_TILE)],
                            out_hbm.at[1, pl.ds(r0, ROWS_PER_TILE)])

    return body(xpk, src, dst2d, w)


def _tc_linear(p, Wp, b2d):
    BLK = 1000

    def body(p_ref, w_ref, b_ref, o_ref):
        acc = p_ref[0] + p_ref[1]
        o_ref[...] = lax.dot_general(
            acc, w_ref[...], (((1,), (1,)), ((), ())),
            preferred_element_type=jnp.float32) + b_ref[...]

    return pl.pallas_call(
        body,
        grid=(N // BLK,),
        in_specs=[
            pl.BlockSpec((NUM_CORES, BLK, D), lambda i: (0, i, 0)),
            pl.BlockSpec((D, D), lambda i: (0, 0)),
            pl.BlockSpec((1, D), lambda i: (0, 0)),
        ],
        out_specs=pl.BlockSpec((BLK, D), lambda i: (i, 0)),
        out_shape=jax.ShapeDtypeStruct((N, D), jnp.float32),
    )(p, Wp, b2d)


@jax.jit
def kernel(x, edge_index, edge_weight, W, b):
    dst = edge_index[0].astype(jnp.int32)
    src = edge_index[1].astype(jnp.int32)
    pad = E_PAD - E
    src = jnp.concatenate([src, jnp.zeros((pad,), jnp.int32)])
    dst = jnp.concatenate([dst, jnp.zeros((pad,), jnp.int32)])
    w = jnp.concatenate([edge_weight, jnp.zeros((pad,), jnp.float32)])
    dst2d = dst.reshape(E_PAD // 128, 128)

    xpk = lax.bitcast_convert_type(
        x.astype(jnp.bfloat16).reshape(N, DW, 2), jnp.int32)
    cols = jnp.concatenate([jnp.arange(0, D, 2), jnp.arange(1, D, 2)])
    Wp = W[:, cols]

    p = _sc_aggregate(xpk, src, dst2d, w)
    return _tc_linear(p, Wp, b.reshape(1, D))

# --- scband reference (transcript-rebuilt; emitter-appended) ---
"""Pipeline reference for scband-gconv-54065048323075 (READ-ONLY COPY).

The authoritative reference and input builder live on the scoring server;
editing this copy changes nothing except your own understanding.
"""

import jax, jax.numpy as jnp
import numpy as np

N = 10000
E = 320000
D_IN = 128
D_OUT = 128

def setup_inputs(seed: int = 0) -> dict:
    key = jax.random.key(seed)
    k1, k2, k3, k4 = jax.random.split(key, 4)
    x = jax.random.normal(k1, (N, D_IN), dtype=jnp.float32)
    edge_index = jax.random.randint(k2, (2, E), 0, N, dtype=jnp.int64)
    edge_weight = jax.random.uniform(k3, (E,), dtype=jnp.float32)
    # xavier_uniform with gain=1.414 for fc weight [out_features, in_features]
    gain = 1.414
    limit = gain * np.sqrt(6.0 / (D_IN + D_OUT))
    W = jax.random.uniform(k4, (D_OUT, D_IN), dtype=jnp.float32, minval=-limit, maxval=limit)
    b = jnp.zeros((D_OUT,), dtype=jnp.float32)
    return {"x": x, "edge_index": edge_index, "edge_weight": edge_weight, "W": W, "b": b}

def reference(x, edge_index, edge_weight, W, b):
    # torch.spmm(adj, x): adj represented as COO (edge_index, edge_weight)
    # row i of output = sum_j adj[i, j] * x[j]
    dst = edge_index[0]  # row indices of adj
    src = edge_index[1]  # col indices of adj
    msgs = x[src] * edge_weight[:, None]          # gather + scale
    agg = jax.ops.segment_sum(msgs, dst, num_segments=N)  # scatter-add
    # fc: Linear(in_features, out_features)
    out = agg @ W.T + b
    return out

if __name__ == "__main__":
    import jax
    _d = setup_inputs()
    print(jax.jit(kernel)(*tuple(_d.values())))

</pallas_src>

<mosaic_0001>
#map = affine_map<(d0, d1) -> (0, 0)>
#map1 = affine_map<(d0, d1) -> (0)>
#map2 = affine_map<(d0, d1) -> (0, 0, 0)>
module attributes {stable_mosaic.version = 14 : i64} {
  func.func @body(%arg0: i32, %arg1: i32, %arg2: memref<10000x64xi32, #tpu.memory_space<hbm>>, %arg3: memref<327680xi32, #tpu.memory_space<hbm>>, %arg4: memref<2560x128xi32, #tpu.memory_space<hbm>>, %arg5: memref<327680xf32, #tpu.memory_space<hbm>>, %arg6: memref<2x10240x128xf32, #tpu.memory_space<hbm>>, %arg7: memref<1024xi32, #tpu.memory_space<vmem>>, %arg8: memref<1024xf32, #tpu.memory_space<vmem>>, %arg9: memref<80x128xi32, #tpu.memory_space<vmem>>, %arg10: memref<128x64xi32, #tpu.memory_space<vmem>>, %arg11: memref<128x64xi32, #tpu.memory_space<vmem>>, %arg12: memref<128x128xf32, #tpu.memory_space<vmem>>, %arg13: memref<10240x128xf32, #tpu.memory_space<vmem_shared>>, %arg14: memref<!tpu.dma_semaphore, #tpu.memory_space<semaphore_mem>>) attributes {dimension_semantics = [#tpu.dimension_semantics<core_parallel>, #tpu.dimension_semantics<subcore_parallel>], iteration_bounds = array<i64: 2, 16>, scalar_prefetch = 0 : i64, scratch_operands = 8 : i64, tpu.core_type = #tpu.core_type<sc_vector_subcore>, window_params = [{transform_indices = #map}, {transform_indices = #map1}, {transform_indices = #map}, {transform_indices = #map1}, {transform_indices = #map2}]} {
    %mul3A = arith.constant 16 : i32
    %mul3A_0 = arith.muli %arg0, %mul3A : i32
    %add3A = arith.addi %mul3A_0, %arg1 : i32
    %mul3A_1 = arith.constant 10240 : i32
    %mul3A_2 = arith.muli %add3A, %mul3A_1 : i32
    %multiple_of3A = tpu.assume_multiple %mul3A_2, 10240 : i32
    %scan3A = arith.constant 0 : i32
    %scan3A_3 = arith.constant 0 : i32
    %scan3A_4 = arith.constant 128 : i32
    %scan3A_5 = arith.addi %scan3A_3, %scan3A_4 : i32
    %scan3A_6 = arith.constant 1 : i32
    %scan3A_7 = scf.for %scan3A_40 = %scan3A_3 to %scan3A_5 step %scan3A_6 iter_args(%scan3A_41 = %scan3A) -> (i32)  : i32 {
      %broadcast_in_dim3A = arith.constant 0.000000e+00 : f32
      %broadcast_in_dim3A_42 = vector.broadcast %broadcast_in_dim3A : f32 to vector<16xf32>
      %swap3A = arith.index_cast %scan3A_40 : i32 to index
      %swap3A_43 = arith.constant 0 : index
      %swap3A_44 = tpu.vector_load %arg12[%swap3A, %swap3A_43] {strides = array<i32>} : memref<128x128xf32, #tpu.memory_space<vmem>>, vector<16xf32>,
      tpu.vector_store %arg12[%swap3A, %swap3A_43], %broadcast_in_dim3A_42 {strides = array<i32>} : memref<128x128xf32, #tpu.memory_space<vmem>>, vector<16xf32>,
      %broadcast_in_dim3A_45 = arith.constant 0.000000e+00 : f32
      %broadcast_in_dim3A_46 = vector.broadcast %broadcast_in_dim3A_45 : f32 to vector<16xf32>
      %swap3A_47 = arith.index_cast %scan3A_40 : i32 to index
      %swap3A_48 = arith.constant 16 : index
      %swap3A_49 = tpu.vector_load %arg12[%swap3A_47, %swap3A_48] {strides = array<i32>} : memref<128x128xf32, #tpu.memory_space<vmem>>, vector<16xf32>,
      tpu.vector_store %arg12[%swap3A_47, %swap3A_48], %broadcast_in_dim3A_46 {strides = array<i32>} : memref<128x128xf32, #tpu.memory_space<vmem>>, vector<16xf32>,
      %broadcast_in_dim3A_50 = arith.constant 0.000000e+00 : f32
      %broadcast_in_dim3A_51 = vector.broadcast %broadcast_in_dim3A_50 : f32 to vector<16xf32>
      %swap3A_52 = arith.index_cast %scan3A_40 : i32 to index
      %swap3A_53 = arith.constant 32 : index
      %swap3A_54 = tpu.vector_load %arg12[%swap3A_52, %swap3A_53] {strides = array<i32>} : memref<128x128xf32, #tpu.memory_space<vmem>>, vector<16xf32>,
      tpu.vector_store %arg12[%swap3A_52, %swap3A_53], %broadcast_in_dim3A_51 {strides = array<i32>} : memref<128x128xf32, #tpu.memory_space<vmem>>, vector<16xf32>,
      %broadcast_in_dim3A_55 = arith.constant 0.000000e+00 : f32
      %broadcast_in_dim3A_56 = vector.broadcast %broadcast_in_dim3A_55 : f32 to vector<16xf32>
      %swap3A_57 = arith.index_cast %scan3A_40 : i32 to index
      %swap3A_58 = arith.constant 48 : index
      %swap3A_59 = tpu.vector_load %arg12[%swap3A_57, %swap3A_58] {strides = array<i32>} : memref<128x128xf32, #tpu.memory_space<vmem>>, vector<16xf32>,
      tpu.vector_store %arg12[%swap3A_57, %swap3A_58], %broadcast_in_dim3A_56 {strides = array<i32>} : memref<128x128xf32, #tpu.memory_space<vmem>>, vector<16xf32>,
      %broadcast_in_dim3A_60 = arith.constant 0.000000e+00 : f32
      %broadcast_in_dim3A_61 = vector.broadcast %broadcast_in_dim3A_60 : f32 to vector<16xf32>
      %swap3A_62 = arith.index_cast %scan3A_40 : i32 to index
      %swap3A_63 = arith.constant 64 : index
      %swap3A_64 = tpu.vector_load %arg12[%swap3A_62, %swap3A_63] {strides = array<i32>} : memref<128x128xf32, #tpu.memory_space<vmem>>, vector<16xf32>,
      tpu.vector_store %arg12[%swap3A_62, %swap3A_63], %broadcast_in_dim3A_61 {strides = array<i32>} : memref<128x128xf32, #tpu.memory_space<vmem>>, vector<16xf32>,
      %broadcast_in_dim3A_65 = arith.constant 0.000000e+00 : f32
      %broadcast_in_dim3A_66 = vector.broadcast %broadcast_in_dim3A_65 : f32 to vector<16xf32>
      %swap3A_67 = arith.index_cast %scan3A_40 : i32 to index
      %swap3A_68 = arith.constant 80 : index
      %swap3A_69 = tpu.vector_load %arg12[%swap3A_67, %swap3A_68] {strides = array<i32>} : memref<128x128xf32, #tpu.memory_space<vmem>>, vector<16xf32>,
      tpu.vector_store %arg12[%swap3A_67, %swap3A_68], %broadcast_in_dim3A_66 {strides = array<i32>} : memref<128x128xf32, #tpu.memory_space<vmem>>, vector<16xf32>,
      %broadcast_in_dim3A_70 = arith.constant 0.000000e+00 : f32
      %broadcast_in_dim3A_71 = vector.broadcast %broadcast_in_dim3A_70 : f32 to vector<16xf32>
      %swap3A_72 = arith.index_cast %scan3A_40 : i32 to index
      %swap3A_73 = arith.constant 96 : index
      %swap3A_74 = tpu.vector_load %arg12[%swap3A_72, %swap3A_73] {strides = array<i32>} : memref<128x128xf32, #tpu.memory_space<vmem>>, vector<16xf32>,
      tpu.vector_store %arg12[%swap3A_72, %swap3A_73], %broadcast_in_dim3A_71 {strides = array<i32>} : memref<128x128xf32, #tpu.memory_space<vmem>>, vector<16xf32>,
      %broadcast_in_dim3A_75 = arith.constant 0.000000e+00 : f32
      %broadcast_in_dim3A_76 = vector.broadcast %broadcast_in_dim3A_75 : f32 to vector<16xf32>
      %swap3A_77 = arith.index_cast %scan3A_40 : i32 to index
      %swap3A_78 = arith.constant 112 : index
      %swap3A_79 = tpu.vector_load %arg12[%swap3A_77, %swap3A_78] {strides = array<i32>} : memref<128x128xf32, #tpu.memory_space<vmem>>, vector<16xf32>,
      tpu.vector_store %arg12[%swap3A_77, %swap3A_78], %broadcast_in_dim3A_76 {strides = array<i32>} : memref<128x128xf32, #tpu.memory_space<vmem>>, vector<16xf32>,
      %scan3A_80 = arith.constant 0 : i32
      scf.yield %scan3A_80 : i32
    }
    %scan3A_8 = arith.constant 128 : i32
    %mul3A_9 = arith.constant 640 : i32
    %mul3A_10 = arith.muli %arg1, %mul3A_9 : i32
    %multiple_of3A_11 = tpu.assume_multiple %mul3A_10, 640 : i32
    %add3A_12 = arith.constant 0 : i32
    %add3A_13 = arith.addi %multiple_of3A_11, %add3A_12 : i32
    "tpu.region"() ({
      %run_scoped3A = tpu.sem_alloc : memref<!tpu.dma_semaphore, #tpu.memory_space<semaphore_mem>>
      %dma_start3A = arith.constant 0 : i32
      %dma_start3A_40 = tpu.memref_slice %arg13[%add3A_13, %dma_start3A] : memref<10240x128xf32, #tpu.memory_space<vmem_shared>> -> memref<128x128xf32, #tpu.memory_space<vmem_shared>>
      %dma_start3A_41 = arith.constant 0 : i32
      %dma_start3A_42 = tpu.memref_slice %arg13[%add3A_13, %dma_start3A_41] : memref<10240x128xf32, #tpu.memory_space<vmem_shared>> -> memref<128x128xf32, #tpu.memory_space<vmem_shared>>
      tpu.enqueue_dma source(%arg12 : memref<128x128xf32, #tpu.memory_space<vmem>>) target(%dma_start3A_42 : memref<128x128xf32, #tpu.memory_space<vmem_shared>>) target_semaphore(%run_scoped3A : memref<!tpu.dma_semaphore, #tpu.memory_space<semaphore_mem>>)
      %dma_wait3A = arith.constant 0 : i32
      %dma_wait3A_43 = tpu.memref_slice %arg13[%add3A_13, %dma_wait3A] : memref<10240x128xf32, #tpu.memory_space<vmem_shared>> -> memref<128x128xf32, #tpu.memory_space<vmem_shared>>
      %dma_wait3A_44 = arith.constant 0 : i32
      %dma_wait3A_45 = tpu.memref_slice %arg13[%add3A_13, %dma_wait3A_44] : memref<10240x128xf32, #tpu.memory_space<vmem_shared>> -> memref<128x128xf32, #tpu.memory_space<vmem_shared>>
      tpu.wait_dma2 semaphore(%run_scoped3A : memref<!tpu.dma_semaphore, #tpu.memory_space<semaphore_mem>>) src(%arg12 : memref<128x128xf32, #tpu.memory_space<vmem>>) dst(%dma_wait3A_45 : memref<128x128xf32, #tpu.memory_space<vmem_shared>>)
      tpu.yield
    }) : () -> ()
    %add3A_14 = arith.constant 128 : i32
    %add3A_15 = arith.addi %multiple_of3A_11, %add3A_14 : i32
    "tpu.region"() ({
      %run_scoped3A = tpu.sem_alloc : memref<!tpu.dma_semaphore, #tpu.memory_space<semaphore_mem>>
      %dma_start3A = arith.constant 0 : i32
      %dma_start3A_40 = tpu.memref_slice %arg13[%add3A_15, %dma_start3A] : memref<10240x128xf32, #tpu.memory_space<vmem_shared>> -> memref<128x128xf32, #tpu.memory_space<vmem_shared>>
      %dma_start3A_41 = arith.constant 0 : i32
      %dma_start3A_42 = tpu.memref_slice %arg13[%add3A_15, %dma_start3A_41] : memref<10240x128xf32, #tpu.memory_space<vmem_shared>> -> memref<128x128xf32, #tpu.memory_space<vmem_shared>>
      tpu.enqueue_dma source(%arg12 : memref<128x128xf32, #tpu.memory_space<vmem>>) target(%dma_start3A_42 : memref<128x128xf32, #tpu.memory_space<vmem_shared>>) target_semaphore(%run_scoped3A : memref<!tpu.dma_semaphore, #tpu.memory_space<semaphore_mem>>)
      %dma_wait3A = arith.constant 0 : i32
      %dma_wait3A_43 = tpu.memref_slice %arg13[%add3A_15, %dma_wait3A] : memref<10240x128xf32, #tpu.memory_space<vmem_shared>> -> memref<128x128xf32, #tpu.memory_space<vmem_shared>>
      %dma_wait3A_44 = arith.constant 0 : i32
      %dma_wait3A_45 = tpu.memref_slice %arg13[%add3A_15, %dma_wait3A_44] : memref<10240x128xf32, #tpu.memory_space<vmem_shared>> -> memref<128x128xf32, #tpu.memory_space<vmem_shared>>
      tpu.wait_dma2 semaphore(%run_scoped3A : memref<!tpu.dma_semaphore, #tpu.memory_space<semaphore_mem>>) src(%arg12 : memref<128x128xf32, #tpu.memory_space<vmem>>) dst(%dma_wait3A_45 : memref<128x128xf32, #tpu.memory_space<vmem_shared>>)
      tpu.yield
    }) : () -> ()
    %add3A_16 = arith.constant 256 : i32
    %add3A_17 = arith.addi %multiple_of3A_11, %add3A_16 : i32
    "tpu.region"() ({
      %run_scoped3A = tpu.sem_alloc : memref<!tpu.dma_semaphore, #tpu.memory_space<semaphore_mem>>
      %dma_start3A = arith.constant 0 : i32
      %dma_start3A_40 = tpu.memref_slice %arg13[%add3A_17, %dma_start3A] : memref<10240x128xf32, #tpu.memory_space<vmem_shared>> -> memref<128x128xf32, #tpu.memory_space<vmem_shared>>
      %dma_start3A_41 = arith.constant 0 : i32
      %dma_start3A_42 = tpu.memref_slice %arg13[%add3A_17, %dma_start3A_41] : memref<10240x128xf32, #tpu.memory_space<vmem_shared>> -> memref<128x128xf32, #tpu.memory_space<vmem_shared>>
      tpu.enqueue_dma source(%arg12 : memref<128x128xf32, #tpu.memory_space<vmem>>) target(%dma_start3A_42 : memref<128x128xf32, #tpu.memory_space<vmem_shared>>) target_semaphore(%run_scoped3A : memref<!tpu.dma_semaphore, #tpu.memory_space<semaphore_mem>>)
      %dma_wait3A = arith.constant 0 : i32
      %dma_wait3A_43 = tpu.memref_slice %arg13[%add3A_17, %dma_wait3A] : memref<10240x128xf32, #tpu.memory_space<vmem_shared>> -> memref<128x128xf32, #tpu.memory_space<vmem_shared>>
      %dma_wait3A_44 = arith.constant 0 : i32
      %dma_wait3A_45 = tpu.memref_slice %arg13[%add3A_17, %dma_wait3A_44] : memref<10240x128xf32, #tpu.memory_space<vmem_shared>> -> memref<128x128xf32, #tpu.memory_space<vmem_shared>>
      tpu.wait_dma2 semaphore(%run_scoped3A : memref<!tpu.dma_semaphore, #tpu.memory_space<semaphore_mem>>) src(%arg12 : memref<128x128xf32, #tpu.memory_space<vmem>>) dst(%dma_wait3A_45 : memref<128x128xf32, #tpu.memory_space<vmem_shared>>)
      tpu.yield
    }) : () -> ()
    %add3A_18 = arith.constant 384 : i32
    %add3A_19 = arith.addi %multiple_of3A_11, %add3A_18 : i32
    "tpu.region"() ({
      %run_scoped3A = tpu.sem_alloc : memref<!tpu.dma_semaphore, #tpu.memory_space<semaphore_mem>>
      %dma_start3A = arith.constant 0 : i32
      %dma_start3A_40 = tpu.memref_slice %arg13[%add3A_19, %dma_start3A] : memref<10240x128xf32, #tpu.memory_space<vmem_shared>> -> memref<128x128xf32, #tpu.memory_space<vmem_shared>>
      %dma_start3A_41 = arith.constant 0 : i32
      %dma_start3A_42 = tpu.memref_slice %arg13[%add3A_19, %dma_start3A_41] : memref<10240x128xf32, #tpu.memory_space<vmem_shared>> -> memref<128x128xf32, #tpu.memory_space<vmem_shared>>
      tpu.enqueue_dma source(%arg12 : memref<128x128xf32, #tpu.memory_space<vmem>>) target(%dma_start3A_42 : memref<128x128xf32, #tpu.memory_space<vmem_shared>>) target_semaphore(%run_scoped3A : memref<!tpu.dma_semaphore, #tpu.memory_space<semaphore_mem>>)
      %dma_wait3A = arith.constant 0 : i32
      %dma_wait3A_43 = tpu.memref_slice %arg13[%add3A_19, %dma_wait3A] : memref<10240x128xf32, #tpu.memory_space<vmem_shared>> -> memref<128x128xf32, #tpu.memory_space<vmem_shared>>
      %dma_wait3A_44 = arith.constant 0 : i32
      %dma_wait3A_45 = tpu.memref_slice %arg13[%add3A_19, %dma_wait3A_44] : memref<10240x128xf32, #tpu.memory_space<vmem_shared>> -> memref<128x128xf32, #tpu.memory_space<vmem_shared>>
      tpu.wait_dma2 semaphore(%run_scoped3A : memref<!tpu.dma_semaphore, #tpu.memory_space<semaphore_mem>>) src(%arg12 : memref<128x128xf32, #tpu.memory_space<vmem>>) dst(%dma_wait3A_45 : memref<128x128xf32, #tpu.memory_space<vmem_shared>>)
      tpu.yield
    }) : () -> ()
    %add3A_20 = arith.constant 512 : i32
    %add3A_21 = arith.addi %multiple_of3A_11, %add3A_20 : i32
    "tpu.region"() ({
      %run_scoped3A = tpu.sem_alloc : memref<!tpu.dma_semaphore, #tpu.memory_space<semaphore_mem>>
      %dma_start3A = arith.constant 0 : i32
      %dma_start3A_40 = tpu.memref_slice %arg13[%add3A_21, %dma_start3A] : memref<10240x128xf32, #tpu.memory_space<vmem_shared>> -> memref<128x128xf32, #tpu.memory_space<vmem_shared>>
      %dma_start3A_41 = arith.constant 0 : i32
      %dma_start3A_42 = tpu.memref_slice %arg13[%add3A_21, %dma_start3A_41] : memref<10240x128xf32, #tpu.memory_space<vmem_shared>> -> memref<128x128xf32, #tpu.memory_space<vmem_shared>>
      tpu.enqueue_dma source(%arg12 : memref<128x128xf32, #tpu.memory_space<vmem>>) target(%dma_start3A_42 : memref<128x128xf32, #tpu.memory_space<vmem_shared>>) target_semaphore(%run_scoped3A : memref<!tpu.dma_semaphore, #tpu.memory_space<semaphore_mem>>)
      %dma_wait3A = arith.constant 0 : i32
      %dma_wait3A_43 = tpu.memref_slice %arg13[%add3A_21, %dma_wait3A] : memref<10240x128xf32, #tpu.memory_space<vmem_shared>> -> memref<128x128xf32, #tpu.memory_space<vmem_shared>>
      %dma_wait3A_44 = arith.constant 0 : i32
      %dma_wait3A_45 = tpu.memref_slice %arg13[%add3A_21, %dma_wait3A_44] : memref<10240x128xf32, #tpu.memory_space<vmem_shared>> -> memref<128x128xf32, #tpu.memory_space<vmem_shared>>
      tpu.wait_dma2 semaphore(%run_scoped3A : memref<!tpu.dma_semaphore, #tpu.memory_space<semaphore_mem>>) src(%arg12 : memref<128x128xf32, #tpu.memory_space<vmem>>) dst(%dma_wait3A_45 : memref<128x128xf32, #tpu.memory_space<vmem_shared>>)
      tpu.yield
    }) : () -> ()
    %mul3A_22 = arith.constant 80 : i32
    %mul3A_23 = arith.muli %add3A, %mul3A_22 : i32
    %multiple_of3A_24 = tpu.assume_multiple %mul3A_23, 80 : i32
    "tpu.region"() ({
      %run_scoped3A = tpu.sem_alloc : memref<!tpu.dma_semaphore, #tpu.memory_space<semaphore_mem>>
      %dma_start3A = arith.constant 0 : i32
      %dma_start3A_40 = tpu.memref_slice %arg4[%multiple_of3A_24, %dma_start3A] : memref<2560x128xi32, #tpu.memory_space<hbm>> -> memref<80x128xi32, #tpu.memory_space<hbm>>
      %dma_start3A_41 = arith.constant 0 : i32
      %dma_start3A_42 = tpu.memref_slice %arg4[%multiple_of3A_24, %dma_start3A_41] : memref<2560x128xi32, #tpu.memory_space<hbm>> -> memref<80x128xi32, #tpu.memory_space<hbm>>
      tpu.enqueue_dma source(%dma_start3A_42 : memref<80x128xi32, #tpu.memory_space<hbm>>) target(%arg9 : memref<80x128xi32, #tpu.memory_space<vmem>>) target_semaphore(%run_scoped3A : memref<!tpu.dma_semaphore, #tpu.memory_space<semaphore_mem>>)
      %dma_wait3A = arith.constant 0 : i32
      %dma_wait3A_43 = tpu.memref_slice %arg4[%multiple_of3A_24, %dma_wait3A] : memref<2560x128xi32, #tpu.memory_space<hbm>> -> memref<80x128xi32, #tpu.memory_space<hbm>>
      %dma_wait3A_44 = arith.constant 0 : i32
      %dma_wait3A_45 = tpu.memref_slice %arg4[%multiple_of3A_24, %dma_wait3A_44] : memref<2560x128xi32, #tpu.memory_space<hbm>> -> memref<80x128xi32, #tpu.memory_space<hbm>>
      tpu.wait_dma2 semaphore(%run_scoped3A : memref<!tpu.dma_semaphore, #tpu.memory_space<semaphore_mem>>) src(%dma_wait3A_45 : memref<80x128xi32, #tpu.memory_space<hbm>>) dst(%arg9 : memref<80x128xi32, #tpu.memory_space<vmem>>)
      tpu.yield
    }) : () -> ()
    %barrier3A = arith.constant 0 : index
    tpu.barrier barrier_id(%barrier3A)
    %scan3A_25 = arith.constant 0 : i32
    %scan3A_26 = arith.constant 0 : i32
    %scan3A_27 = arith.constant 10 : i32
    %scan3A_28 = arith.addi %scan3A_26, %scan3A_27 : i32
    %scan3A_29 = arith.constant 1 : i32
    %scan3A_30 = scf.for %scan3A_40 = %scan3A_26 to %scan3A_28 step %scan3A_29 iter_args(%scan3A_41 = %scan3A_25) -> (i32)  : i32 {
      %mul3A_42 = arith.constant 1024 : i32
      %mul3A_43 = arith.muli %scan3A_40, %mul3A_42 : i32
      %add3A_44 = arith.addi %multiple_of3A, %mul3A_43 : i32
      "tpu.region"() ({
        %run_scoped3A = tpu.sem_alloc : memref<!tpu.dma_semaphore, #tpu.memory_space<semaphore_mem>>
        %dma_start3A_212 = tpu.memref_slice %arg3[%add3A_44] : memref<327680xi32, #tpu.memory_space<hbm>> -> memref<1024xi32, #tpu.memory_space<hbm>>
        %dma_start3A_213 = tpu.memref_slice %arg3[%add3A_44] : memref<327680xi32, #tpu.memory_space<hbm>> -> memref<1024xi32, #tpu.memory_space<hbm>>
        tpu.enqueue_dma source(%dma_start3A_213 : memref<1024xi32, #tpu.memory_space<hbm>>) target(%arg7 : memref<1024xi32, #tpu.memory_space<vmem>>) target_semaphore(%run_scoped3A : memref<!tpu.dma_semaphore, #tpu.memory_space<semaphore_mem>>)
        %dma_wait3A_214 = tpu.memref_slice %arg3[%add3A_44] : memref<327680xi32, #tpu.memory_space<hbm>> -> memref<1024xi32, #tpu.memory_space<hbm>>
        %dma_wait3A_215 = tpu.memref_slice %arg3[%add3A_44] : memref<327680xi32, #tpu.memory_space<hbm>> -> memref<1024xi32, #tpu.memory_space<hbm>>
        tpu.wait_dma2 semaphore(%run_scoped3A : memref<!tpu.dma_semaphore, #tpu.memory_space<semaphore_mem>>) src(%dma_wait3A_215 : memref<1024xi32, #tpu.memory_space<hbm>>) dst(%arg7 : memref<1024xi32, #tpu.memory_space<vmem>>)
        tpu.yield
      }) : () -> ()
      "tpu.region"() ({
        %run_scoped3A = tpu.sem_alloc : memref<!tpu.dma_semaphore, #tpu.memory_space<semaphore_mem>>
        %dma_start3A_212 = tpu.memref_slice %arg5[%add3A_44] : memref<327680xf32, #tpu.memory_space<hbm>> -> memref<1024xf32, #tpu.memory_space<hbm>>
        %dma_start3A_213 = tpu.memref_slice %arg5[%add3A_44] : memref<327680xf32, #tpu.memory_space<hbm>> -> memref<1024xf32, #tpu.memory_space<hbm>>
        tpu.enqueue_dma source(%dma_start3A_213 : memref<1024xf32, #tpu.memory_space<hbm>>) target(%arg8 : memref<1024xf32, #tpu.memory_space<vmem>>) target_semaphore(%run_scoped3A : memref<!tpu.dma_semaphore, #tpu.memory_space<semaphore_mem>>)
        %dma_wait3A_214 = tpu.memref_slice %arg5[%add3A_44] : memref<327680xf32, #tpu.memory_space<hbm>> -> memref<1024xf32, #tpu.memory_space<hbm>>
        %dma_wait3A_215 = tpu.memref_slice %arg5[%add3A_44] : memref<327680xf32, #tpu.memory_space<hbm>> -> memref<1024xf32, #tpu.memory_space<hbm>>
        tpu.wait_dma2 semaphore(%run_scoped3A : memref<!tpu.dma_semaphore, #tpu.memory_space<semaphore_mem>>) src(%dma_wait3A_215 : memref<1024xf32, #tpu.memory_space<hbm>>) dst(%arg8 : memref<1024xf32, #tpu.memory_space<vmem>>)
        tpu.yield
      }) : () -> ()
      %dma_start3A = arith.constant 0 : i32
      %dma_start3A_45 = tpu.memref_slice %arg7[%dma_start3A] : memref<1024xi32, #tpu.memory_space<vmem>> -> memref<128xi32, #tpu.memory_space<vmem>>
      %dma_start3A_46 = arith.constant 0 : i32
      %dma_start3A_47 = arith.constant 0 : i32
      %dma_start3A_48 = tpu.memref_slice %arg2[%dma_start3A_46, %dma_start3A_47] : memref<10000x64xi32, #tpu.memory_space<hbm>> -> memref<10000x64xi32, #tpu.memory_space<hbm>>
      tpu.enqueue_indirect_dma source(%dma_start3A_48 : memref<10000x64xi32, #tpu.memory_space<hbm>>) target(%arg10 : memref<128x64xi32, #tpu.memory_space<vmem>>) offsets(%dma_start3A_45 : memref<128xi32, #tpu.memory_space<vmem>>) semaphore(%arg14 : memref<!tpu.dma_semaphore, #tpu.memory_space<semaphore_mem>>)
      %dma_wait3A = arith.constant 0 : i32
      %dma_wait3A_49 = tpu.memref_slice %arg7[%dma_wait3A] : memref<1024xi32, #tpu.memory_space<vmem>> -> memref<128xi32, #tpu.memory_space<vmem>>
      %dma_wait3A_50 = arith.constant 0 : i32
      %dma_wait3A_51 = arith.constant 0 : i32
      %dma_wait3A_52 = tpu.memref_slice %arg2[%dma_wait3A_50, %dma_wait3A_51] : memref<10000x64xi32, #tpu.memory_space<hbm>> -> memref<10000x64xi32, #tpu.memory_space<hbm>>
      tpu.wait_indirect_dma semaphore(%arg14 : memref<!tpu.dma_semaphore, #tpu.memory_space<semaphore_mem>>) src(%dma_wait3A_52 : memref<10000x64xi32, #tpu.memory_space<hbm>>) dst(%arg10 : memref<128x64xi32, #tpu.memory_space<vmem>>)
      %dma_start3A_53 = arith.constant 128 : i32
      %dma_start3A_54 = tpu.memref_slice %arg7[%dma_start3A_53] : memref<1024xi32, #tpu.memory_space<vmem>> -> memref<128xi32, #tpu.memory_space<vmem>>
      %dma_start3A_55 = arith.constant 0 : i32
      %dma_start3A_56 = arith.constant 0 : i32
      %dma_start3A_57 = tpu.memref_slice %arg2[%dma_start3A_55, %dma_start3A_56] : memref<10000x64xi32, #tpu.memory_space<hbm>> -> memref<10000x64xi32, #tpu.memory_space<hbm>>
      tpu.enqueue_indirect_dma source(%dma_start3A_57 : memref<10000x64xi32, #tpu.memory_space<hbm>>) target(%arg11 : memref<128x64xi32, #tpu.memory_space<vmem>>) offsets(%dma_start3A_54 : memref<128xi32, #tpu.memory_space<vmem>>) semaphore(%arg14 : memref<!tpu.dma_semaphore, #tpu.memory_space<semaphore_mem>>)
      %scan3A_58 = arith.constant 0 : i32
      %scan3A_59 = arith.constant 0 : i32
      %scan3A_60 = arith.constant 128 : i32
      %scan3A_61 = arith.addi %scan3A_59, %scan3A_60 : i32
      %scan3A_62 = arith.constant 1 : i32
      %scan3A_63 = scf.for %scan3A_212 = %scan3A_59 to %scan3A_61 step %scan3A_62 iter_args(%scan3A_213 = %scan3A_58) -> (i32)  : i32 {
        %add3A_214 = arith.constant 0 : i32
        %add3A_215 = arith.addi %add3A_214, %scan3A_212 : i32
        %broadcast_in_dim3A = vector.broadcast %add3A_215 : i32 to vector<16xi32>
        %gather3A = tpu.vector_load_idx %arg8[%broadcast_in_dim3A] : memref<1024xf32, #tpu.memory_space<vmem>>[vector<16xi32>], vector<16xf32>,
        %get3A = arith.index_cast %scan3A_212 : i32 to index
        %get3A_216 = arith.constant 0 : index
        %get3A_217 = tpu.vector_load %arg10[%get3A, %get3A_216] {strides = array<i32>} : memref<128x64xi32, #tpu.memory_space<vmem>>, vector<16xi32>,
        %bitcast3A = vector.bitcast %get3A_217 : vector<16xi32> to vector<32xbf16>
        %unpack3A = tpu.unpack_subelements %bitcast3A, 0 {pack_format = #tpu.pack_format<interleaved>} : vector<32xbf16> -> vector<16xf32>
        %unpack3A_218 = tpu.unpack_subelements %bitcast3A, 1 {pack_format = #tpu.pack_format<interleaved>} : vector<32xbf16> -> vector<16xf32>
        %mul3A_219 = arith.mulf %unpack3A, %gather3A : vector<16xf32>
        %swap3A = arith.index_cast %scan3A_212 : i32 to index
        %swap3A_220 = arith.constant 0 : index
        %swap3A_221 = tpu.vector_load %arg12[%swap3A, %swap3A_220] {strides = array<i32>} : memref<128x128xf32, #tpu.memory_space<vmem>>, vector<16xf32>,
        tpu.vector_store %arg12[%swap3A, %swap3A_220], %mul3A_219 {strides = array<i32>} : memref<128x128xf32, #tpu.memory_space<vmem>>, vector<16xf32>,
        %mul3A_222 = arith.mulf %unpack3A_218, %gather3A : vector<16xf32>
        %swap3A_223 = arith.index_cast %scan3A_212 : i32 to index
        %swap3A_224 = arith.constant 64 : index
        %swap3A_225 = tpu.vector_load %arg12[%swap3A_223, %swap3A_224] {strides = array<i32>} : memref<128x128xf32, #tpu.memory_space<vmem>>, vector<16xf32>,
        tpu.vector_store %arg12[%swap3A_223, %swap3A_224], %mul3A_222 {strides = array<i32>} : memref<128x128xf32, #tpu.memory_space<vmem>>, vector<16xf32>,
        %get3A_226 = arith.index_cast %scan3A_212 : i32 to index
        %get3A_227 = arith.constant 16 : index
        %get3A_228 = tpu.vector_load %arg10[%get3A_226, %get3A_227] {strides = array<i32>} : memref<128x64xi32, #tpu.memory_space<vmem>>, vector<16xi32>,
        %bitcast3A_229 = vector.bitcast %get3A_228 : vector<16xi32> to vector<32xbf16>
        %unpack3A_230 = tpu.unpack_subelements %bitcast3A_229, 0 {pack_format = #tpu.pack_format<interleaved>} : vector<32xbf16> -> vector<16xf32>
        %unpack3A_231 = tpu.unpack_subelements %bitcast3A_229, 1 {pack_format = #tpu.pack_format<interleaved>} : vector<32xbf16> -> vector<16xf32>
        %mul3A_232 = arith.mulf %unpack3A_230, %gather3A : vector<16xf32>
        %swap3A_233 = arith.index_cast %scan3A_212 : i32 to index
        %swap3A_234 = arith.constant 16 : index
        %swap3A_235 = tpu.vector_load %arg12[%swap3A_233, %swap3A_234] {strides = array<i32>} : memref<128x128xf32, #tpu.memory_space<vmem>>, vector<16xf32>,
        tpu.vector_store %arg12[%swap3A_233, %swap3A_234], %mul3A_232 {strides = array<i32>} : memref<128x128xf32, #tpu.memory_space<vmem>>, vector<16xf32>,
        %mul3A_236 = arith.mulf %unpack3A_231, %gather3A : vector<16xf32>
        %swap3A_237 = arith.index_cast %scan3A_212 : i32 to index
        %swap3A_238 = arith.constant 80 : index
        %swap3A_239 = tpu.vector_load %arg12[%swap3A_237, %swap3A_238] {strides = array<i32>} : memref<128x128xf32, #tpu.memory_space<vmem>>, vector<16xf32>,
        tpu.vector_store %arg12[%swap3A_237, %swap3A_238], %mul3A_236 {strides = array<i32>} : memref<128x128xf32, #tpu.memory_space<vmem>>, vector<16xf32>,
        %get3A_240 = arith.index_cast %scan3A_212 : i32 to index
        %get3A_241 = arith.constant 32 : index
        %get3A_242 = tpu.vector_load %arg10[%get3A_240, %get3A_241] {strides = array<i32>} : memref<128x64xi32, #tpu.memory_space<vmem>>, vector<16xi32>,
        %bitcast3A_243 = vector.bitcast %get3A_242 : vector<16xi32> to vector<32xbf16>
        %unpack3A_244 = tpu.unpack_subelements %bitcast3A_243, 0 {pack_format = #tpu.pack_format<interleaved>} : vector<32xbf16> -> vector<16xf32>
        %unpack3A_245 = tpu.unpack_subelements %bitcast3A_243, 1 {pack_format = #tpu.pack_format<interleaved>} : vector<32xbf16> -> vector<16xf32>
        %mul3A_246 = arith.mulf %unpack3A_244, %gather3A : vector<16xf32>
        %swap3A_247 = arith.index_cast %scan3A_212 : i32 to index
        %swap3A_248 = arith.constant 32 : index
        %swap3A_249 = tpu.vector_load %arg12[%swap3A_247, %swap3A_248] {strides = array<i32>} : memref<128x128xf32, #tpu.memory_space<vmem>>, vector<16xf32>,
        tpu.vector_store %arg12[%swap3A_247, %swap3A_248], %mul3A_246 {strides = array<i32>} : memref<128x128xf32, #tpu.memory_space<vmem>>, vector<16xf32>,
        %mul3A_250 = arith.mulf %unpack3A_245, %gather3A : vector<16xf32>
        %swap3A_251 = arith.index_cast %scan3A_212 : i32 to index
        %swap3A_252 = arith.constant 96 : index
        %swap3A_253 = tpu.vector_load %arg12[%swap3A_251, %swap3A_252] {strides = array<i32>} : memref<128x128xf32, #tpu.memory_space<vmem>>, vector<16xf32>,
        tpu.vector_store %arg12[%swap3A_251, %swap3A_252], %mul3A_250 {strides = array<i32>} : memref<128x128xf32, #tpu.memory_space<vmem>>, vector<16xf32>,
        %get3A_254 = arith.index_cast %scan3A_212 : i32 to index
        %get3A_255 = arith.constant 48 : index
        %get3A_256 = tpu.vector_load %arg10[%get3A_254, %get3A_255] {strides = array<i32>} : memref<128x64xi32, #tpu.memory_space<vmem>>, vector<16xi32>,
        %bitcast3A_257 = vector.bitcast %get3A_256 : vector<16xi32> to vector<32xbf16>
        %unpack3A_258 = tpu.unpack_subelements %bitcast3A_257, 0 {pack_format = #tpu.pack_format<interleaved>} : vector<32xbf16> -> vector<16xf32>
        %unpack3A_259 = tpu.unpack_subelements %bitcast3A_257, 1 {pack_format = #tpu.pack_format<interleaved>} : vector<32xbf16> -> vector<16xf32>
        %mul3A_260 = arith.mulf %unpack3A_258, %gather3A : vector<16xf32>
        %swap3A_261 = arith.index_cast %scan3A_212 : i32 to index
        %swap3A_262 = arith.constant 48 : index
        %swap3A_263 = tpu.vector_load %arg12[%swap3A_261, %swap3A_262] {strides = array<i32>} : memref<128x128xf32, #tpu.memory_space<vmem>>, vector<16xf32>,
        tpu.vector_store %arg12[%swap3A_261, %swap3A_262], %mul3A_260 {strides = array<i32>} : memref<128x128xf32, #tpu.memory_space<vmem>>, vector<16xf32>,
        %mul3A_264 = arith.mulf %unpack3A_259, %gather3A : vector<16xf32>
        %swap3A_265 = arith.index_cast %scan3A_212 : i32 to index
        %swap3A_266 = arith.constant 112 : index
        %swap3A_267 = tpu.vector_load %arg12[%swap3A_265, %swap3A_266] {strides = array<i32>} : memref<128x128xf32, #tpu.memory_space<vmem>>, vector<16xf32>,
        tpu.vector_store %arg12[%swap3A_265, %swap3A_266], %mul3A_264 {strides = array<i32>} : memref<128x128xf32, #tpu.memory_space<vmem>>, vector<16xf32>,
        %scan3A_268 = arith.constant 0 : i32
        scf.yield %scan3A_268 : i32
      }
      %scan3A_64 = arith.constant 128 : i32
      %mul3A_65 = arith.constant 8 : i32
      %mul3A_66 = arith.muli %scan3A_40, %mul3A_65 : i32
      %add3A_67 = arith.constant 0 : i32
      %add3A_68 = arith.addi %mul3A_66, %add3A_67 : i32
      "tpu.region"() ({
        %run_scoped3A = tpu.sem_alloc : memref<!tpu.dma_semaphore, #tpu.memory_space<semaphore_mem>>
        %dma_start3A_212 = arith.constant 0 : i32
        %dma_start3A_213 = tpu.memref_slice %arg9[%add3A_68, %dma_start3A_212] : memref<80x128xi32, #tpu.memory_space<vmem>> -> memref<1x128xi32, #tpu.memory_space<vmem>>
        %dma_start3A_214 = tpu.memref_squeeze %dma_start3A_213 : memref<1x128xi32, #tpu.memory_space<vmem>> -> memref<128xi32, #tpu.memory_space<vmem>>
        %dma_start3A_215 = arith.constant 0 : i32
        %dma_start3A_216 = arith.constant 0 : i32
        %dma_start3A_217 = tpu.memref_slice %arg13[%dma_start3A_215, %dma_start3A_216] : memref<10240x128xf32, #tpu.memory_space<vmem_shared>> -> memref<10240x128xf32, #tpu.memory_space<vmem_shared>>
        tpu.enqueue_indirect_dma source(%arg12 : memref<128x128xf32, #tpu.memory_space<vmem>>) target(%dma_start3A_217 : memref<10240x128xf32, #tpu.memory_space<vmem_shared>>) offsets(%dma_start3A_214 : memref<128xi32, #tpu.memory_space<vmem>>) semaphore(%run_scoped3A : memref<!tpu.dma_semaphore, #tpu.memory_space<semaphore_mem>>) {add = true}
        %dma_wait3A_218 = arith.constant 0 : i32
        %dma_wait3A_219 = tpu.memref_slice %arg9[%add3A_68, %dma_wait3A_218] : memref<80x128xi32, #tpu.memory_space<vmem>> -> memref<1x128xi32, #tpu.memory_space<vmem>>
        %dma_wait3A_220 = tpu.memref_squeeze %dma_wait3A_219 : memref<1x128xi32, #tpu.memory_space<vmem>> -> memref<128xi32, #tpu.memory_space<vmem>>
        %dma_wait3A_221 = arith.constant 0 : i32
        %dma_wait3A_222 = arith.constant 0 : i32
        %dma_wait3A_223 = tpu.memref_slice %arg13[%dma_wait3A_221, %dma_wait3A_222] : memref<10240x128xf32, #tpu.memory_space<vmem_shared>> -> memref<10240x128xf32, #tpu.memory_space<vmem_shared>>
        tpu.wait_indirect_dma semaphore(%run_scoped3A : memref<!tpu.dma_semaphore, #tpu.memory_space<semaphore_mem>>) src(%arg12 : memref<128x128xf32, #tpu.memory_space<vmem>>) dst(%dma_wait3A_223 : memref<10240x128xf32, #tpu.memory_space<vmem_shared>>)
        tpu.yield
      }) : () -> ()
      %dma_wait3A_69 = arith.constant 128 : i32
      %dma_wait3A_70 = tpu.memref_slice %arg7[%dma_wait3A_69] : memref<1024xi32, #tpu.memory_space<vmem>> -> memref<128xi32, #tpu.memory_space<vmem>>
      %dma_wait3A_71 = arith.constant 0 : i32
      %dma_wait3A_72 = arith.constant 0 : i32
      %dma_wait3A_73 = tpu.memref_slice %arg2[%dma_wait3A_71, %dma_wait3A_72] : memref<10000x64xi32, #tpu.memory_space<hbm>> -> memref<10000x64xi32, #tpu.memory_space<hbm>>
      tpu.wait_indirect_dma semaphore(%arg14 : memref<!tpu.dma_semaphore, #tpu.memory_space<semaphore_mem>>) src(%dma_wait3A_73 : memref<10000x64xi32, #tpu.memory_space<hbm>>) dst(%arg11 : memref<128x64xi32, #tpu.memory_space<vmem>>)
      %dma_start3A_74 = arith.constant 256 : i32
      %dma_start3A_75 = tpu.memref_slice %arg7[%dma_start3A_74] : memref<1024xi32, #tpu.memory_space<vmem>> -> memref<128xi32, #tpu.memory_space<vmem>>
      %dma_start3A_76 = arith.constant 0 : i32
      %dma_start3A_77 = arith.constant 0 : i32
      %dma_start3A_78 = tpu.memref_slice %arg2[%dma_start3A_76, %dma_start3A_77] : memref<10000x64xi32, #tpu.memory_space<hbm>> -> memref<10000x64xi32, #tpu.memory_space<hbm>>
      tpu.enqueue_indirect_dma source(%dma_start3A_78 : memref<10000x64xi32, #tpu.memory_space<hbm>>) target(%arg10 : memref<128x64xi32, #tpu.memory_space<vmem>>) offsets(%dma_start3A_75 : memref<128xi32, #tpu.memory_space<vmem>>) semaphore(%arg14 : memref<!tpu.dma_semaphore, #tpu.memory_space<semaphore_mem>>)
      %scan3A_79 = arith.constant 0 : i32
      %scan3A_80 = arith.constant 0 : i32
      %scan3A_81 = arith.constant 128 : i32
      %scan3A_82 = arith.addi %scan3A_80, %scan3A_81 : i32
      %scan3A_83 = arith.constant 1 : i32
      %scan3A_84 = scf.for %scan3A_212 = %scan3A_80 to %scan3A_82 step %scan3A_83 iter_args(%scan3A_213 = %scan3A_79) -> (i32)  : i32 {
        %add3A_214 = arith.constant 128 : i32
        %add3A_215 = arith.addi %add3A_214, %scan3A_212 : i32
        %broadcast_in_dim3A = vector.broadcast %add3A_215 : i32 to vector<16xi32>
        %gather3A = tpu.vector_load_idx %arg8[%broadcast_in_dim3A] : memref<1024xf32, #tpu.memory_space<vmem>>[vector<16xi32>], vector<16xf32>,
        %get3A = arith.index_cast %scan3A_212 : i32 to index
        %get3A_216 = arith.constant 0 : index
        %get3A_217 = tpu.vector_load %arg11[%get3A, %get3A_216] {strides = array<i32>} : memref<128x64xi32, #tpu.memory_space<vmem>>, vector<16xi32>,
        %bitcast3A = vector.bitcast %get3A_217 : vector<16xi32> to vector<32xbf16>
        %unpack3A = tpu.unpack_subelements %bitcast3A, 0 {pack_format = #tpu.pack_format<interleaved>} : vector<32xbf16> -> vector<16xf32>
        %unpack3A_218 = tpu.unpack_subelements %bitcast3A, 1 {pack_format = #tpu.pack_format<interleaved>} : vector<32xbf16> -> vector<16xf32>
        %mul3A_219 = arith.mulf %unpack3A, %gather3A : vector<16xf32>
        %swap3A = arith.index_cast %scan3A_212 : i32 to index
        %swap3A_220 = arith.constant 0 : index
        %swap3A_221 = tpu.vector_load %arg12[%swap3A, %swap3A_220] {strides = array<i32>} : memref<128x128xf32, #tpu.memory_space<vmem>>, vector<16xf32>,
        tpu.vector_store %arg12[%swap3A, %swap3A_220], %mul3A_219 {strides = array<i32>} : memref<128x128xf32, #tpu.memory_space<vmem>>, vector<16xf32>,
        %mul3A_222 = arith.mulf %unpack3A_218, %gather3A : vector<16xf32>
        %swap3A_223 = arith.index_cast %scan3A_212 : i32 to index
        %swap3A_224 = arith.constant 64 : index
        %swap3A_225 = tpu.vector_load %arg12[%swap3A_223, %swap3A_224] {strides = array<i32>} : memref<128x128xf32, #tpu.memory_space<vmem>>, vector<16xf32>,
        tpu.vector_store %arg12[%swap3A_223, %swap3A_224], %mul3A_222 {strides = array<i32>} : memref<128x128xf32, #tpu.memory_space<vmem>>, vector<16xf32>,
        %get3A_226 = arith.index_cast %scan3A_212 : i32 to index
        %get3A_227 = arith.constant 16 : index
        %get3A_228 = tpu.vector_load %arg11[%get3A_226, %get3A_227] {strides = array<i32>} : memref<128x64xi32, #tpu.memory_space<vmem>>, vector<16xi32>,
        %bitcast3A_229 = vector.bitcast %get3A_228 : vector<16xi32> to vector<32xbf16>
        %unpack3A_230 = tpu.unpack_subelements %bitcast3A_229, 0 {pack_format = #tpu.pack_format<interleaved>} : vector<32xbf16> -> vector<16xf32>
        %unpack3A_231 = tpu.unpack_subelements %bitcast3A_229, 1 {pack_format = #tpu.pack_format<interleaved>} : vector<32xbf16> -> vector<16xf32>
        %mul3A_232 = arith.mulf %unpack3A_230, %gather3A : vector<16xf32>
        %swap3A_233 = arith.index_cast %scan3A_212 : i32 to index
        %swap3A_234 = arith.constant 16 : index
        %swap3A_235 = tpu.vector_load %arg12[%swap3A_233, %swap3A_234] {strides = array<i32>} : memref<128x128xf32, #tpu.memory_space<vmem>>, vector<16xf32>,
        tpu.vector_store %arg12[%swap3A_233, %swap3A_234], %mul3A_232 {strides = array<i32>} : memref<128x128xf32, #tpu.memory_space<vmem>>, vector<16xf32>,
        %mul3A_236 = arith.mulf %unpack3A_231, %gather3A : vector<16xf32>
        %swap3A_237 = arith.index_cast %scan3A_212 : i32 to index
        %swap3A_238 = arith.constant 80 : index
        %swap3A_239 = tpu.vector_load %arg12[%swap3A_237, %swap3A_238] {strides = array<i32>} : memref<128x128xf32, #tpu.memory_space<vmem>>, vector<16xf32>,
        tpu.vector_store %arg12[%swap3A_237, %swap3A_238], %mul3A_236 {strides = array<i32>} : memref<128x128xf32, #tpu.memory_space<vmem>>, vector<16xf32>,
        %get3A_240 = arith.index_cast %scan3A_212 : i32 to index
        %get3A_241 = arith.constant 32 : index
        %get3A_242 = tpu.vector_load %arg11[%get3A_240, %get3A_241] {strides = array<i32>} : memref<128x64xi32, #tpu.memory_space<vmem>>, vector<16xi32>,
        %bitcast3A_243 = vector.bitcast %get3A_242 : vector<16xi32> to vector<32xbf16>
        %unpack3A_244 = tpu.unpack_subelements %bitcast3A_243, 0 {pack_format = #tpu.pack_format<interleaved>} : vector<32xbf16> -> vector<16xf32>
        %unpack3A_245 = tpu.unpack_subelements %bitcast3A_243, 1 {pack_format = #tpu.pack_format<interleaved>} : vector<32xbf16> -> vector<16xf32>
        %mul3A_246 = arith.mulf %unpack3A_244, %gather3A : vector<16xf32>
        %swap3A_247 = arith.index_cast %scan3A_212 : i32 to index
        %swap3A_248 = arith.constant 32 : index
        %swap3A_249 = tpu.vector_load %arg12[%swap3A_247, %swap3A_248] {strides = array<i32>} : memref<128x128xf32, #tpu.memory_space<vmem>>, vector<16xf32>,
        tpu.vector_store %arg12[%swap3A_247, %swap3A_248], %mul3A_246 {strides = array<i32>} : memref<128x128xf32, #tpu.memory_space<vmem>>, vector<16xf32>,
        %mul3A_250 = arith.mulf %unpack3A_245, %gather3A : vector<16xf32>
        %swap3A_251 = arith.index_cast %scan3A_212 : i32 to index
        %swap3A_252 = arith.constant 96 : index
        %swap3A_253 = tpu.vector_load %arg12[%swap3A_251, %swap3A_252] {strides = array<i32>} : memref<128x128xf32, #tpu.memory_space<vmem>>, vector<16xf32>,
        tpu.vector_store %arg12[%swap3A_251, %swap3A_252], %mul3A_250 {strides = array<i32>} : memref<128x128xf32, #tpu.memory_space<vmem>>, vector<16xf32>,
        %get3A_254 = arith.index_cast %scan3A_212 : i32 to index
        %get3A_255 = arith.constant 48 : index
        %get3A_256 = tpu.vector_load %arg11[%get3A_254, %get3A_255] {strides = array<i32>} : memref<128x64xi32, #tpu.memory_space<vmem>>, vector<16xi32>,
        %bitcast3A_257 = vector.bitcast %get3A_256 : vector<16xi32> to vector<32xbf16>
        %unpack3A_258 = tpu.unpack_subelements %bitcast3A_257, 0 {pack_format = #tpu.pack_format<interleaved>} : vector<32xbf16> -> vector<16xf32>
        %unpack3A_259 = tpu.unpack_subelements %bitcast3A_257, 1 {pack_format = #tpu.pack_format<interleaved>} : vector<32xbf16> -> vector<16xf32>
        %mul3A_260 = arith.mulf %unpack3A_258, %gather3A : vector<16xf32>
        %swap3A_261 = arith.index_cast %scan3A_212 : i32 to index
        %swap3A_262 = arith.constant 48 : index
        %swap3A_263 = tpu.vector_load %arg12[%swap3A_261, %swap3A_262] {strides = array<i32>} : memref<128x128xf32, #tpu.memory_space<vmem>>, vector<16xf32>,
        tpu.vector_store %arg12[%swap3A_261, %swap3A_262], %mul3A_260 {strides = array<i32>} : memref<128x128xf32, #tpu.memory_space<vmem>>, vector<16xf32>,
        %mul3A_264 = arith.mulf %unpack3A_259, %gather3A : vector<16xf32>
        %swap3A_265 = arith.index_cast %scan3A_212 : i32 to index
        %swap3A_266 = arith.constant 112 : index
        %swap3A_267 = tpu.vector_load %arg12[%swap3A_265, %swap3A_266] {strides = array<i32>} : memref<128x128xf32, #tpu.memory_space<vmem>>, vector<16xf32>,
        tpu.vector_store %arg12[%swap3A_265, %swap3A_266], %mul3A_264 {strides = array<i32>} : memref<128x128xf32, #tpu.memory_space<vmem>>, vector<16xf32>,
        %scan3A_268 = arith.constant 0 : i32
        scf.yield %scan3A_268 : i32
      }
      %scan3A_85 = arith.constant 128 : i32
      %mul3A_86 = arith.constant 8 : i32
      %mul3A_87 = arith.muli %scan3A_40, %mul3A_86 : i32
      %add3A_88 = arith.constant 1 : i32
      %add3A_89 = arith.addi %mul3A_87, %add3A_88 : i32
      "tpu.region"() ({
        %run_scoped3A = tpu.sem_alloc : memref<!tpu.dma_semaphore, #tpu.memory_space<semaphore_mem>>
        %dma_start3A_212 = arith.constant 0 : i32
        %dma_start3A_213 = tpu.memref_slice %arg9[%add3A_89, %dma_start3A_212] : memref<80x128xi32, #tpu.memory_space<vmem>> -> memref<1x128xi32, #tpu.memory_space<vmem>>
        %dma_start3A_214 = tpu.memref_squeeze %dma_start3A_213 : memref<1x128xi32, #tpu.memory_space<vmem>> -> memref<128xi32, #tpu.memory_space<vmem>>
        %dma_start3A_215 = arith.constant 0 : i32
        %dma_start3A_216 = arith.constant 0 : i32
        %dma_start3A_217 = tpu.memref_slice %arg13[%dma_start3A_215, %dma_start3A_216] : memref<10240x128xf32, #tpu.memory_space<vmem_shared>> -> memref<10240x128xf32, #tpu.memory_space<vmem_shared>>
        tpu.enqueue_indirect_dma source(%arg12 : memref<128x128xf32, #tpu.memory_space<vmem>>) target(%dma_start3A_217 : memref<10240x128xf32, #tpu.memory_space<vmem_shared>>) offsets(%dma_start3A_214 : memref<128xi32, #tpu.memory_space<vmem>>) semaphore(%run_scoped3A : memref<!tpu.dma_semaphore, #tpu.memory_space<semaphore_mem>>) {add = true}
        %dma_wait3A_218 = arith.constant 0 : i32
        %dma_wait3A_219 = tpu.memref_slice %arg9[%add3A_89, %dma_wait3A_218] : memref<80x128xi32, #tpu.memory_space<vmem>> -> memref<1x128xi32, #tpu.memory_space<vmem>>
        %dma_wait3A_220 = tpu.memref_squeeze %dma_wait3A_219 : memref<1x128xi32, #tpu.memory_space<vmem>> -> memref<128xi32, #tpu.memory_space<vmem>>
        %dma_wait3A_221 = arith.constant 0 : i32
        %dma_wait3A_222 = arith.constant 0 : i32
        %dma_wait3A_223 = tpu.memref_slice %arg13[%dma_wait3A_221, %dma_wait3A_222] : memref<10240x128xf32, #tpu.memory_space<vmem_shared>> -> memref<10240x128xf32, #tpu.memory_space<vmem_shared>>
        tpu.wait_indirect_dma semaphore(%run_scoped3A : memref<!tpu.dma_semaphore, #tpu.memory_space<semaphore_mem>>) src(%arg12 : memref<128x128xf32, #tpu.memory_space<vmem>>) dst(%dma_wait3A_223 : memref<10240x128xf32, #tpu.memory_space<vmem_shared>>)
        tpu.yield
      }) : () -> ()
      %dma_wait3A_90 = arith.constant 256 : i32
      %dma_wait3A_91 = tpu.memref_slice %arg7[%dma_wait3A_90] : memref<1024xi32, #tpu.memory_space<vmem>> -> memref<128xi32, #tpu.memory_space<vmem>>
      %dma_wait3A_92 = arith.constant 0 : i32
      %dma_wait3A_93 = arith.constant 0 : i32
      %dma_wait3A_94 = tpu.memref_slice %arg2[%dma_wait3A_92, %dma_wait3A_93] : memref<10000x64xi32, #tpu.memory_space<hbm>> -> memref<10000x64xi32, #tpu.memory_space<hbm>>
      tpu.wait_indirect_dma semaphore(%arg14 : memref<!tpu.dma_semaphore, #tpu.memory_space<semaphore_mem>>) src(%dma_wait3A_94 : memref<10000x64xi32, #tpu.memory_space<hbm>>) dst(%arg10 : memref<128x64xi32, #tpu.memory_space<vmem>>)
      %dma_start3A_95 = arith.constant 384 : i32
      %dma_start3A_96 = tpu.memref_slice %arg7[%dma_start3A_95] : memref<1024xi32, #tpu.memory_space<vmem>> -> memref<128xi32, #tpu.memory_space<vmem>>
      %dma_start3A_97 = arith.constant 0 : i32
      %dma_start3A_98 = arith.constant 0 : i32
      %dma_start3A_99 = tpu.memref_slice %arg2[%dma_start3A_97, %dma_start3A_98] : memref<10000x64xi32, #tpu.memory_space<hbm>> -> memref<10000x64xi32, #tpu.memory_space<hbm>>
      tpu.enqueue_indirect_dma source(%dma_start3A_99 : memref<10000x64xi32, #tpu.memory_space<hbm>>) target(%arg11 : memref<128x64xi32, #tpu.memory_space<vmem>>) offsets(%dma_start3A_96 : memref<128xi32, #tpu.memory_space<vmem>>) semaphore(%arg14 : memref<!tpu.dma_semaphore, #tpu.memory_space<semaphore_mem>>)
      %scan3A_100 = arith.constant 0 : i32
      %scan3A_101 = arith.constant 0 : i32
      %scan3A_102 = arith.constant 128 : i32
      %scan3A_103 = arith.addi %scan3A_101, %scan3A_102 : i32
      %scan3A_104 = arith.constant 1 : i32
      %scan3A_105 = scf.for %scan3A_212 = %scan3A_101 to %scan3A_103 step %scan3A_104 iter_args(%scan3A_213 = %scan3A_100) -> (i32)  : i32 {
        %add3A_214 = arith.constant 256 : i32
        %add3A_215 = arith.addi %add3A_214, %scan3A_212 : i32
        %broadcast_in_dim3A = vector.broadcast %add3A_215 : i32 to vector<16xi32>
        %gather3A = tpu.vector_load_idx %arg8[%broadcast_in_dim3A] : memref<1024xf32, #tpu.memory_space<vmem>>[vector<16xi32>], vector<16xf32>,
        %get3A = arith.index_cast %scan3A_212 : i32 to index
        %get3A_216 = arith.constant 0 : index
        %get3A_217 = tpu.vector_load %arg10[%get3A, %get3A_216] {strides = array<i32>} : memref<128x64xi32, #tpu.memory_space<vmem>>, vector<16xi32>,
        %bitcast3A = vector.bitcast %get3A_217 : vector<16xi32> to vector<32xbf16>
        %unpack3A = tpu.unpack_subelements %bitcast3A, 0 {pack_format = #tpu.pack_format<interleaved>} : vector<32xbf16> -> vector<16xf32>
        %unpack3A_218 = tpu.unpack_subelements %bitcast3A, 1 {pack_format = #tpu.pack_format<interleaved>} : vector<32xbf16> -> vector<16xf32>
        %mul3A_219 = arith.mulf %unpack3A, %gather3A : vector<16xf32>
        %swap3A = arith.index_cast %scan3A_212 : i32 to index
        %swap3A_220 = arith.constant 0 : index
        %swap3A_221 = tpu.vector_load %arg12[%swap3A, %swap3A_220] {strides = array<i32>} : memref<128x128xf32, #tpu.memory_space<vmem>>, vector<16xf32>,
        tpu.vector_store %arg12[%swap3A, %swap3A_220], %mul3A_219 {strides = array<i32>} : memref<128x128xf32, #tpu.memory_space<vmem>>, vector<16xf32>,
        %mul3A_222 = arith.mulf %unpack3A_218, %gather3A : vector<16xf32>
        %swap3A_223 = arith.index_cast %scan3A_212 : i32 to index
        %swap3A_224 = arith.constant 64 : index
        %swap3A_225 = tpu.vector_load %arg12[%swap3A_223, %swap3A_224] {strides = array<i32>} : memref<128x128xf32, #tpu.memory_space<vmem>>, vector<16xf32>,
        tpu.vector_store %arg12[%swap3A_223, %swap3A_224], %mul3A_222 {strides = array<i32>} : memref<128x128xf32, #tpu.memory_space<vmem>>, vector<16xf32>,
        %get3A_226 = arith.index_cast %scan3A_212 : i32 to index
        %get3A_227 = arith.constant 16 : index
        %get3A_228 = tpu.vector_load %arg10[%get3A_226, %get3A_227] {strides = array<i32>} : memref<128x64xi32, #tpu.memory_space<vmem>>, vector<16xi32>,
        %bitcast3A_229 = vector.bitcast %get3A_228 : vector<16xi32> to vector<32xbf16>
        %unpack3A_230 = tpu.unpack_subelements %bitcast3A_229, 0 {pack_format = #tpu.pack_format<interleaved>} : vector<32xbf16> -> vector<16xf32>
        %unpack3A_231 = tpu.unpack_subelements %bitcast3A_229, 1 {pack_format = #tpu.pack_format<interleaved>} : vector<32xbf16> -> vector<16xf32>
        %mul3A_232 = arith.mulf %unpack3A_230, %gather3A : vector<16xf32>
        %swap3A_233 = arith.index_cast %scan3A_212 : i32 to index
        %swap3A_234 = arith.constant 16 : index
        %swap3A_235 = tpu.vector_load %arg12[%swap3A_233, %swap3A_234] {strides = array<i32>} : memref<128x128xf32, #tpu.memory_space<vmem>>, vector<16xf32>,
        tpu.vector_store %arg12[%swap3A_233, %swap3A_234], %mul3A_232 {strides = array<i32>} : memref<128x128xf32, #tpu.memory_space<vmem>>, vector<16xf32>,
        %mul3A_236 = arith.mulf %unpack3A_231, %gather3A : vector<16xf32>
        %swap3A_237 = arith.index_cast %scan3A_212 : i32 to index
        %swap3A_238 = arith.constant 80 : index
        %swap3A_239 = tpu.vector_load %arg12[%swap3A_237, %swap3A_238] {strides = array<i32>} : memref<128x128xf32, #tpu.memory_space<vmem>>, vector<16xf32>,
        tpu.vector_store %arg12[%swap3A_237, %swap3A_238], %mul3A_236 {strides = array<i32>} : memref<128x128xf32, #tpu.memory_space<vmem>>, vector<16xf32>,
        %get3A_240 = arith.index_cast %scan3A_212 : i32 to index
        %get3A_241 = arith.constant 32 : index
        %get3A_242 = tpu.vector_load %arg10[%get3A_240, %get3A_241] {strides = array<i32>} : memref<128x64xi32, #tpu.memory_space<vmem>>, vector<16xi32>,
        %bitcast3A_243 = vector.bitcast %get3A_242 : vector<16xi32> to vector<32xbf16>
        %unpack3A_244 = tpu.unpack_subelements %bitcast3A_243, 0 {pack_format = #tpu.pack_format<interleaved>} : vector<32xbf16> -> vector<16xf32>
        %unpack3A_245 = tpu.unpack_subelements %bitcast3A_243, 1 {pack_format = #tpu.pack_format<interleaved>} : vector<32xbf16> -> vector<16xf32>
        %mul3A_246 = arith.mulf %unpack3A_244, %gather3A : vector<16xf32>
        %swap3A_247 = arith.index_cast %scan3A_212 : i32 to index
        %swap3A_248 = arith.constant 32 : index
        %swap3A_249 = tpu.vector_load %arg12[%swap3A_247, %swap3A_248] {strides = array<i32>} : memref<128x128xf32, #tpu.memory_space<vmem>>, vector<16xf32>,
        tpu.vector_store %arg12[%swap3A_247, %swap3A_248], %mul3A_246 {strides = array<i32>} : memref<128x128xf32, #tpu.memory_space<vmem>>, vector<16xf32>,
        %mul3A_250 = arith.mulf %unpack3A_245, %gather3A : vector<16xf32>
        %swap3A_251 = arith.index_cast %scan3A_212 : i32 to index
        %swap3A_252 = arith.constant 96 : index
        %swap3A_253 = tpu.vector_load %arg12[%swap3A_251, %swap3A_252] {strides = array<i32>} : memref<128x128xf32, #tpu.memory_space<vmem>>, vector<16xf32>,
        tpu.vector_store %arg12[%swap3A_251, %swap3A_252], %mul3A_250 {strides = array<i32>} : memref<128x128xf32, #tpu.memory_space<vmem>>, vector<16xf32>,
        %get3A_254 = arith.index_cast %scan3A_212 : i32 to index
        %get3A_255 = arith.constant 48 : index
        %get3A_256 = tpu.vector_load %arg10[%get3A_254, %get3A_255] {strides = array<i32>} : memref<128x64xi32, #tpu.memory_space<vmem>>, vector<16xi32>,
        %bitcast3A_257 = vector.bitcast %get3A_256 : vector<16xi32> to vector<32xbf16>
        %unpack3A_258 = tpu.unpack_subelements %bitcast3A_257, 0 {pack_format = #tpu.pack_format<interleaved>} : vector<32xbf16> -> vector<16xf32>
        %unpack3A_259 = tpu.unpack_subelements %bitcast3A_257, 1 {pack_format = #tpu.pack_format<interleaved>} : vector<32xbf16> -> vector<16xf32>
        %mul3A_260 = arith.mulf %unpack3A_258, %gather3A : vector<16xf32>
        %swap3A_261 = arith.index_cast %scan3A_212 : i32 to index
        %swap3A_262 = arith.constant 48 : index
        %swap3A_263 = tpu.vector_load %arg12[%swap3A_261, %swap3A_262] {strides = array<i32>} : memref<128x128xf32, #tpu.memory_space<vmem>>, vector<16xf32>,
        tpu.vector_store %arg12[%swap3A_261, %swap3A_262], %mul3A_260 {strides = array<i32>} : memref<128x128xf32, #tpu.memory_space<vmem>>, vector<16xf32>,
        %mul3A_264 = arith.mulf %unpack3A_259, %gather3A : vector<16xf32>
        %swap3A_265 = arith.index_cast %scan3A_212 : i32 to index
        %swap3A_266 = arith.constant 112 : index
        %swap3A_267 = tpu.vector_load %arg12[%swap3A_265, %swap3A_266] {strides = array<i32>} : memref<128x128xf32, #tpu.memory_space<vmem>>, vector<16xf32>,
        tpu.vector_store %arg12[%swap3A_265, %swap3A_266], %mul3A_264 {strides = array<i32>} : memref<128x128xf32, #tpu.memory_space<vmem>>, vector<16xf32>,
        %scan3A_268 = arith.constant 0 : i32
        scf.yield %scan3A_268 : i32
      }
      %scan3A_106 = arith.constant 128 : i32
      %mul3A_107 = arith.constant 8 : i32
      %mul3A_108 = arith.muli %scan3A_40, %mul3A_107 : i32
      %add3A_109 = arith.constant 2 : i32
      %add3A_110 = arith.addi %mul3A_108, %add3A_109 : i32
      "tpu.region"() ({
        %run_scoped3A = tpu.sem_alloc : memref<!tpu.dma_semaphore, #tpu.memory_space<semaphore_mem>>
        %dma_start3A_212 = arith.constant 0 : i32
        %dma_start3A_213 = tpu.memref_slice %arg9[%add3A_110, %dma_start3A_212] : memref<80x128xi32, #tpu.memory_space<vmem>> -> memref<1x128xi32, #tpu.memory_space<vmem>>
        %dma_start3A_214 = tpu.memref_squeeze %dma_start3A_213 : memref<1x128xi32, #tpu.memory_space<vmem>> -> memref<128xi32, #tpu.memory_space<vmem>>
        %dma_start3A_215 = arith.constant 0 : i32
        %dma_start3A_216 = arith.constant 0 : i32
        %dma_start3A_217 = tpu.memref_slice %arg13[%dma_start3A_215, %dma_start3A_216] : memref<10240x128xf32, #tpu.memory_space<vmem_shared>> -> memref<10240x128xf32, #tpu.memory_space<vmem_shared>>
        tpu.enqueue_indirect_dma source(%arg12 : memref<128x128xf32, #tpu.memory_space<vmem>>) target(%dma_start3A_217 : memref<10240x128xf32, #tpu.memory_space<vmem_shared>>) offsets(%dma_start3A_214 : memref<128xi32, #tpu.memory_space<vmem>>) semaphore(%run_scoped3A : memref<!tpu.dma_semaphore, #tpu.memory_space<semaphore_mem>>) {add = true}
        %dma_wait3A_218 = arith.constant 0 : i32
        %dma_wait3A_219 = tpu.memref_slice %arg9[%add3A_110, %dma_wait3A_218] : memref<80x128xi32, #tpu.memory_space<vmem>> -> memref<1x128xi32, #tpu.memory_space<vmem>>
        %dma_wait3A_220 = tpu.memref_squeeze %dma_wait3A_219 : memref<1x128xi32, #tpu.memory_space<vmem>> -> memref<128xi32, #tpu.memory_space<vmem>>
        %dma_wait3A_221 = arith.constant 0 : i32
        %dma_wait3A_222 = arith.constant 0 : i32
        %dma_wait3A_223 = tpu.memref_slice %arg13[%dma_wait3A_221, %dma_wait3A_222] : memref<10240x128xf32, #tpu.memory_space<vmem_shared>> -> memref<10240x128xf32, #tpu.memory_space<vmem_shared>>
        tpu.wait_indirect_dma semaphore(%run_scoped3A : memref<!tpu.dma_semaphore, #tpu.memory_space<semaphore_mem>>) src(%arg12 : memref<128x128xf32, #tpu.memory_space<vmem>>) dst(%dma_wait3A_223 : memref<10240x128xf32, #tpu.memory_space<vmem_shared>>)
        tpu.yield
      }) : () -> ()
      %dma_wait3A_111 = arith.constant 384 : i32
      %dma_wait3A_112 = tpu.memref_slice %arg7[%dma_wait3A_111] : memref<1024xi32, #tpu.memory_space<vmem>> -> memref<128xi32, #tpu.memory_space<vmem>>
      %dma_wait3A_113 = arith.constant 0 : i32
      %dma_wait3A_114 = arith.constant 0 : i32
      %dma_wait3A_115 = tpu.memref_slice %arg2[%dma_wait3A_113, %dma_wait3A_114] : memref<10000x64xi32, #tpu.memory_space<hbm>> -> memref<10000x64xi32, #tpu.memory_space<hbm>>
      tpu.wait_indirect_dma semaphore(%arg14 : memref<!tpu.dma_semaphore, #tpu.memory_space<semaphore_mem>>) src(%dma_wait3A_115 : memref<10000x64xi32, #tpu.memory_space<hbm>>) dst(%arg11 : memref<128x64xi32, #tpu.memory_space<vmem>>)
      %dma_start3A_116 = arith.constant 512 : i32
      %dma_start3A_117 = tpu.memref_slice %arg7[%dma_start3A_116] : memref<1024xi32, #tpu.memory_space<vmem>> -> memref<128xi32, #tpu.memory_space<vmem>>
      %dma_start3A_118 = arith.constant 0 : i32
      %dma_start3A_119 = arith.constant 0 : i32
      %dma_start3A_120 = tpu.memref_slice %arg2[%dma_start3A_118, %dma_start3A_119] : memref<10000x64xi32, #tpu.memory_space<hbm>> -> memref<10000x64xi32, #tpu.memory_space<hbm>>
      tpu.enqueue_indirect_dma source(%dma_start3A_120 : memref<10000x64xi32, #tpu.memory_space<hbm>>) target(%arg10 : memref<128x64xi32, #tpu.memory_space<vmem>>) offsets(%dma_start3A_117 : memref<128xi32, #tpu.memory_space<vmem>>) semaphore(%arg14 : memref<!tpu.dma_semaphore, #tpu.memory_space<semaphore_mem>>)
      %scan3A_121 = arith.constant 0 : i32
      %scan3A_122 = arith.constant 0 : i32
      %scan3A_123 = arith.constant 128 : i32
      %scan3A_124 = arith.addi %scan3A_122, %scan3A_123 : i32
      %scan3A_125 = arith.constant 1 : i32
      %scan3A_126 = scf.for %scan3A_212 = %scan3A_122 to %scan3A_124 step %scan3A_125 iter_args(%scan3A_213 = %scan3A_121) -> (i32)  : i32 {
        %add3A_214 = arith.constant 384 : i32
        %add3A_215 = arith.addi %add3A_214, %scan3A_212 : i32
        %broadcast_in_dim3A = vector.broadcast %add3A_215 : i32 to vector<16xi32>
        %gather3A = tpu.vector_load_idx %arg8[%broadcast_in_dim3A] : memref<1024xf32, #tpu.memory_space<vmem>>[vector<16xi32>], vector<16xf32>,
        %get3A = arith.index_cast %scan3A_212 : i32 to index
        %get3A_216 = arith.constant 0 : index
        %get3A_217 = tpu.vector_load %arg11[%get3A, %get3A_216] {strides = array<i32>} : memref<128x64xi32, #tpu.memory_space<vmem>>, vector<16xi32>,
        %bitcast3A = vector.bitcast %get3A_217 : vector<16xi32> to vector<32xbf16>
        %unpack3A = tpu.unpack_subelements %bitcast3A, 0 {pack_format = #tpu.pack_format<interleaved>} : vector<32xbf16> -> vector<16xf32>
        %unpack3A_218 = tpu.unpack_subelements %bitcast3A, 1 {pack_format = #tpu.pack_format<interleaved>} : vector<32xbf16> -> vector<16xf32>
        %mul3A_219 = arith.mulf %unpack3A, %gather3A : vector<16xf32>
        %swap3A = arith.index_cast %scan3A_212 : i32 to index
        %swap3A_220 = arith.constant 0 : index
        %swap3A_221 = tpu.vector_load %arg12[%swap3A, %swap3A_220] {strides = array<i32>} : memref<128x128xf32, #tpu.memory_space<vmem>>, vector<16xf32>,
        tpu.vector_store %arg12[%swap3A, %swap3A_220], %mul3A_219 {strides = array<i32>} : memref<128x128xf32, #tpu.memory_space<vmem>>, vector<16xf32>,
        %mul3A_222 = arith.mulf %unpack3A_218, %gather3A : vector<16xf32>
        %swap3A_223 = arith.index_cast %scan3A_212 : i32 to index
        %swap3A_224 = arith.constant 64 : index
        %swap3A_225 = tpu.vector_load %arg12[%swap3A_223, %swap3A_224] {strides = array<i32>} : memref<128x128xf32, #tpu.memory_space<vmem>>, vector<16xf32>,
        tpu.vector_store %arg12[%swap3A_223, %swap3A_224], %mul3A_222 {strides = array<i32>} : memref<128x128xf32, #tpu.memory_space<vmem>>, vector<16xf32>,
        %get3A_226 = arith.index_cast %scan3A_212 : i32 to index
        %get3A_227 = arith.constant 16 : index
        %get3A_228 = tpu.vector_load %arg11[%get3A_226, %get3A_227] {strides = array<i32>} : memref<128x64xi32, #tpu.memory_space<vmem>>, vector<16xi32>,
        %bitcast3A_229 = vector.bitcast %get3A_228 : vector<16xi32> to vector<32xbf16>
        %unpack3A_230 = tpu.unpack_subelements %bitcast3A_229, 0 {pack_format = #tpu.pack_format<interleaved>} : vector<32xbf16> -> vector<16xf32>
        %unpack3A_231 = tpu.unpack_subelements %bitcast3A_229, 1 {pack_format = #tpu.pack_format<interleaved>} : vector<32xbf16> -> vector<16xf32>
        %mul3A_232 = arith.mulf %unpack3A_230, %gather3A : vector<16xf32>
        %swap3A_233 = arith.index_cast %scan3A_212 : i32 to index
        %swap3A_234 = arith.constant 16 : index
        %swap3A_235 = tpu.vector_load %arg12[%swap3A_233, %swap3A_234] {strides = array<i32>} : memref<128x128xf32, #tpu.memory_space<vmem>>, vector<16xf32>,
        tpu.vector_store %arg12[%swap3A_233, %swap3A_234], %mul3A_232 {strides = array<i32>} : memref<128x128xf32, #tpu.memory_space<vmem>>, vector<16xf32>,
        %mul3A_236 = arith.mulf %unpack3A_231, %gather3A : vector<16xf32>
        %swap3A_237 = arith.index_cast %scan3A_212 : i32 to index
        %swap3A_238 = arith.constant 80 : index
        %swap3A_239 = tpu.vector_load %arg12[%swap3A_237, %swap3A_238] {strides = array<i32>} : memref<128x128xf32, #tpu.memory_space<vmem>>, vector<16xf32>,
        tpu.vector_store %arg12[%swap3A_237, %swap3A_238], %mul3A_236 {strides = array<i32>} : memref<128x128xf32, #tpu.memory_space<vmem>>, vector<16xf32>,
        %get3A_240 = arith.index_cast %scan3A_212 : i32 to index
        %get3A_241 = arith.constant 32 : index
        %get3A_242 = tpu.vector_load %arg11[%get3A_240, %get3A_241] {strides = array<i32>} : memref<128x64xi32, #tpu.memory_space<vmem>>, vector<16xi32>,
        %bitcast3A_243 = vector.bitcast %get3A_242 : vector<16xi32> to vector<32xbf16>
        %unpack3A_244 = tpu.unpack_subelements %bitcast3A_243, 0 {pack_format = #tpu.pack_format<interleaved>} : vector<32xbf16> -> vector<16xf32>
        %unpack3A_245 = tpu.unpack_subelements %bitcast3A_243, 1 {pack_format = #tpu.pack_format<interleaved>} : vector<32xbf16> -> vector<16xf32>
        %mul3A_246 = arith.mulf %unpack3A_244, %gather3A : vector<16xf32>
        %swap3A_247 = arith.index_cast %scan3A_212 : i32 to index
        %swap3A_248 = arith.constant 32 : index
        %swap3A_249 = tpu.vector_load %arg12[%swap3A_247, %swap3A_248] {strides = array<i32>} : memref<128x128xf32, #tpu.memory_space<vmem>>, vector<16xf32>,
        tpu.vector_store %arg12[%swap3A_247, %swap3A_248], %mul3A_246 {strides = array<i32>} : memref<128x128xf32, #tpu.memory_space<vmem>>, vector<16xf32>,
        %mul3A_250 = arith.mulf %unpack3A_245, %gather3A : vector<16xf32>
        %swap3A_251 = arith.index_cast %scan3A_212 : i32 to index
        %swap3A_252 = arith.constant 96 : index
        %swap3A_253 = tpu.vector_load %arg12[%swap3A_251, %swap3A_252] {strides = array<i32>} : memref<128x128xf32, #tpu.memory_space<vmem>>, vector<16xf32>,
        tpu.vector_store %arg12[%swap3A_251, %swap3A_252], %mul3A_250 {strides = array<i32>} : memref<128x128xf32, #tpu.memory_space<vmem>>, vector<16xf32>,
        %get3A_254 = arith.index_cast %scan3A_212 : i32 to index
        %get3A_255 = arith.constant 48 : index
        %get3A_256 = tpu.vector_load %arg11[%get3A_254, %get3A_255] {strides = array<i32>} : memref<128x64xi32, #tpu.memory_space<vmem>>, vector<16xi32>,
        %bitcast3A_257 = vector.bitcast %get3A_256 : vector<16xi32> to vector<32xbf16>
        %unpack3A_258 = tpu.unpack_subelements %bitcast3A_257, 0 {pack_format = #tpu.pack_format<interleaved>} : vector<32xbf16> -> vector<16xf32>
        %unpack3A_259 = tpu.unpack_subelements %bitcast3A_257, 1 {pack_format = #tpu.pack_format<interleaved>} : vector<32xbf16> -> vector<16xf32>
        %mul3A_260 = arith.mulf %unpack3A_258, %gather3A : vector<16xf32>
        %swap3A_261 = arith.index_cast %scan3A_212 : i32 to index
        %swap3A_262 = arith.constant 48 : index
        %swap3A_263 = tpu.vector_load %arg12[%swap3A_261, %swap3A_262] {strides = array<i32>} : memref<128x128xf32, #tpu.memory_space<vmem>>, vector<16xf32>,
        tpu.vector_store %arg12[%swap3A_261, %swap3A_262], %mul3A_260 {strides = array<i32>} : memref<128x128xf32, #tpu.memory_space<vmem>>, vector<16xf32>,
        %mul3A_264 = arith.mulf %unpack3A_259, %gather3A : vector<16xf32>
        %swap3A_265 = arith.index_cast %scan3A_212 : i32 to index
        %swap3A_266 = arith.constant 112 : index
        %swap3A_267 = tpu.vector_load %arg12[%swap3A_265, %swap3A_266] {strides = array<i32>} : memref<128x128xf32, #tpu.memory_space<vmem>>, vector<16xf32>,
        tpu.vector_store %arg12[%swap3A_265, %swap3A_266], %mul3A_264 {strides = array<i32>} : memref<128x128xf32, #tpu.memory_space<vmem>>, vector<16xf32>,
        %scan3A_268 = arith.constant 0 : i32
        scf.yield %scan3A_268 : i32
      }
      %scan3A_127 = arith.constant 128 : i32
      %mul3A_128 = arith.constant 8 : i32
      %mul3A_129 = arith.muli %scan3A_40, %mul3A_128 : i32
      %add3A_130 = arith.constant 3 : i32
      %add3A_131 = arith.addi %mul3A_129, %add3A_130 : i32
      "tpu.region"() ({
        %run_scoped3A = tpu.sem_alloc : memref<!tpu.dma_semaphore, #tpu.memory_space<semaphore_mem>>
        %dma_start3A_212 = arith.constant 0 : i32
        %dma_start3A_213 = tpu.memref_slice %arg9[%add3A_131, %dma_start3A_212] : memref<80x128xi32, #tpu.memory_space<vmem>> -> memref<1x128xi32, #tpu.memory_space<vmem>>
        %dma_start3A_214 = tpu.memref_squeeze %dma_start3A_213 : memref<1x128xi32, #tpu.memory_space<vmem>> -> memref<128xi32, #tpu.memory_space<vmem>>
        %dma_start3A_215 = arith.constant 0 : i32
        %dma_start3A_216 = arith.constant 0 : i32
        %dma_start3A_217 = tpu.memref_slice %arg13[%dma_start3A_215, %dma_start3A_216] : memref<10240x128xf32, #tpu.memory_space<vmem_shared>> -> memref<10240x128xf32, #tpu.memory_space<vmem_shared>>
        tpu.enqueue_indirect_dma source(%arg12 : memref<128x128xf32, #tpu.memory_space<vmem>>) target(%dma_start3A_217 : memref<10240x128xf32, #tpu.memory_space<vmem_shared>>) offsets(%dma_start3A_214 : memref<128xi32, #tpu.memory_space<vmem>>) semaphore(%run_scoped3A : memref<!tpu.dma_semaphore, #tpu.memory_space<semaphore_mem>>) {add = true}
        %dma_wait3A_218 = arith.constant 0 : i32
        %dma_wait3A_219 = tpu.memref_slice %arg9[%add3A_131, %dma_wait3A_218] : memref<80x128xi32, #tpu.memory_space<vmem>> -> memref<1x128xi32, #tpu.memory_space<vmem>>
        %dma_wait3A_220 = tpu.memref_squeeze %dma_wait3A_219 : memref<1x128xi32, #tpu.memory_space<vmem>> -> memref<128xi32, #tpu.memory_space<vmem>>
        %dma_wait3A_221 = arith.constant 0 : i32
        %dma_wait3A_222 = arith.constant 0 : i32
        %dma_wait3A_223 = tpu.memref_slice %arg13[%dma_wait3A_221, %dma_wait3A_222] : memref<10240x128xf32, #tpu.memory_space<vmem_shared>> -> memref<10240x128xf32, #tpu.memory_space<vmem_shared>>
        tpu.wait_indirect_dma semaphore(%run_scoped3A : memref<!tpu.dma_semaphore, #tpu.memory_space<semaphore_mem>>) src(%arg12 : memref<128x128xf32, #tpu.memory_space<vmem>>) dst(%dma_wait3A_223 : memref<10240x128xf32, #tpu.memory_space<vmem_shared>>)
        tpu.yield
      }) : () -> ()
      %dma_wait3A_132 = arith.constant 512 : i32
      %dma_wait3A_133 = tpu.memref_slice %arg7[%dma_wait3A_132] : memref<1024xi32, #tpu.memory_space<vmem>> -> memref<128xi32, #tpu.memory_space<vmem>>
      %dma_wait3A_134 = arith.constant 0 : i32
      %dma_wait3A_135 = arith.constant 0 : i32
      %dma_wait3A_136 = tpu.memref_slice %arg2[%dma_wait3A_134, %dma_wait3A_135] : memref<10000x64xi32, #tpu.memory_space<hbm>> -> memref<10000x64xi32, #tpu.memory_space<hbm>>
      tpu.wait_indirect_dma semaphore(%arg14 : memref<!tpu.dma_semaphore, #tpu.memory_space<semaphore_mem>>) src(%dma_wait3A_136 : memref<10000x64xi32, #tpu.memory_space<hbm>>) dst(%arg10 : memref<128x64xi32, #tpu.memory_space<vmem>>)
      %dma_start3A_137 = arith.constant 640 : i32
      %dma_start3A_138 = tpu.memref_slice %arg7[%dma_start3A_137] : memref<1024xi32, #tpu.memory_space<vmem>> -> memref<128xi32, #tpu.memory_space<vmem>>
      %dma_start3A_139 = arith.constant 0 : i32
      %dma_start3A_140 = arith.constant 0 : i32
      %dma_start3A_141 = tpu.memref_slice %arg2[%dma_start3A_139, %dma_start3A_140] : memref<10000x64xi32, #tpu.memory_space<hbm>> -> memref<10000x64xi32, #tpu.memory_space<hbm>>
      tpu.enqueue_indirect_dma source(%dma_start3A_141 : memref<10000x64xi32, #tpu.memory_space<hbm>>) target(%arg11 : memref<128x64xi32, #tpu.memory_space<vmem>>) offsets(%dma_start3A_138 : memref<128xi32, #tpu.memory_space<vmem>>) semaphore(%arg14 : memref<!tpu.dma_semaphore, #tpu.memory_space<semaphore_mem>>)
      %scan3A_142 = arith.constant 0 : i32
      %scan3A_143 = arith.constant 0 : i32
      %scan3A_144 = arith.constant 128 : i32
      %scan3A_145 = arith.addi %scan3A_143, %scan3A_144 : i32
      %scan3A_146 = arith.constant 1 : i32
      %scan3A_147 = scf.for %scan3A_212 = %scan3A_143 to %scan3A_145 step %scan3A_146 iter_args(%scan3A_213 = %scan3A_142) -> (i32)  : i32 {
        %add3A_214 = arith.constant 512 : i32
        %add3A_215 = arith.addi %add3A_214, %scan3A_212 : i32
        %broadcast_in_dim3A = vector.broadcast %add3A_215 : i32 to vector<16xi32>
        %gather3A = tpu.vector_load_idx %arg8[%broadcast_in_dim3A] : memref<1024xf32, #tpu.memory_space<vmem>>[vector<16xi32>], vector<16xf32>,
        %get3A = arith.index_cast %scan3A_212 : i32 to index
        %get3A_216 = arith.constant 0 : index
        %get3A_217 = tpu.vector_load %arg10[%get3A, %get3A_216] {strides = array<i32>} : memref<128x64xi32, #tpu.memory_space<vmem>>, vector<16xi32>,
        %bitcast3A = vector.bitcast %get3A_217 : vector<16xi32> to vector<32xbf16>
        %unpack3A = tpu.unpack_subelements %bitcast3A, 0 {pack_format = #tpu.pack_format<interleaved>} : vector<32xbf16> -> vector<16xf32>
        %unpack3A_218 = tpu.unpack_subelements %bitcast3A, 1 {pack_format = #tpu.pack_format<interleaved>} : vector<32xbf16> -> vector<16xf32>
        %mul3A_219 = arith.mulf %unpack3A, %gather3A : vector<16xf32>
        %swap3A = arith.index_cast %scan3A_212 : i32 to index
        %swap3A_220 = arith.constant 0 : index
        %swap3A_221 = tpu.vector_load %arg12[%swap3A, %swap3A_220] {strides = array<i32>} : memref<128x128xf32, #tpu.memory_space<vmem>>, vector<16xf32>,
        tpu.vector_store %arg12[%swap3A, %swap3A_220], %mul3A_219 {strides = array<i32>} : memref<128x128xf32, #tpu.memory_space<vmem>>, vector<16xf32>,
        %mul3A_222 = arith.mulf %unpack3A_218, %gather3A : vector<16xf32>
        %swap3A_223 = arith.index_cast %scan3A_212 : i32 to index
        %swap3A_224 = arith.constant 64 : index
        %swap3A_225 = tpu.vector_load %arg12[%swap3A_223, %swap3A_224] {strides = array<i32>} : memref<128x128xf32, #tpu.memory_space<vmem>>, vector<16xf32>,
        tpu.vector_store %arg12[%swap3A_223, %swap3A_224], %mul3A_222 {strides = array<i32>} : memref<128x128xf32, #tpu.memory_space<vmem>>, vector<16xf32>,
        %get3A_226 = arith.index_cast %scan3A_212 : i32 to index
        %get3A_227 = arith.constant 16 : index
        %get3A_228 = tpu.vector_load %arg10[%get3A_226, %get3A_227] {strides = array<i32>} : memref<128x64xi32, #tpu.memory_space<vmem>>, vector<16xi32>,
        %bitcast3A_229 = vector.bitcast %get3A_228 : vector<16xi32> to vector<32xbf16>
        %unpack3A_230 = tpu.unpack_subelements %bitcast3A_229, 0 {pack_format = #tpu.pack_format<interleaved>} : vector<32xbf16> -> vector<16xf32>
        %unpack3A_231 = tpu.unpack_subelements %bitcast3A_229, 1 {pack_format = #tpu.pack_format<interleaved>} : vector<32xbf16> -> vector<16xf32>
        %mul3A_232 = arith.mulf %unpack3A_230, %gather3A : vector<16xf32>
        %swap3A_233 = arith.index_cast %scan3A_212 : i32 to index
        %swap3A_234 = arith.constant 16 : index
        %swap3A_235 = tpu.vector_load %arg12[%swap3A_233, %swap3A_234] {strides = array<i32>} : memref<128x128xf32, #tpu.memory_space<vmem>>, vector<16xf32>,
        tpu.vector_store %arg12[%swap3A_233, %swap3A_234], %mul3A_232 {strides = array<i32>} : memref<128x128xf32, #tpu.memory_space<vmem>>, vector<16xf32>,
        %mul3A_236 = arith.mulf %unpack3A_231, %gather3A : vector<16xf32>
        %swap3A_237 = arith.index_cast %scan3A_212 : i32 to index
        %swap3A_238 = arith.constant 80 : index
        %swap3A_239 = tpu.vector_load %arg12[%swap3A_237, %swap3A_238] {strides = array<i32>} : memref<128x128xf32, #tpu.memory_space<vmem>>, vector<16xf32>,
        tpu.vector_store %arg12[%swap3A_237, %swap3A_238], %mul3A_236 {strides = array<i32>} : memref<128x128xf32, #tpu.memory_space<vmem>>, vector<16xf32>,
        %get3A_240 = arith.index_cast %scan3A_212 : i32 to index
        %get3A_241 = arith.constant 32 : index
        %get3A_242 = tpu.vector_load %arg10[%get3A_240, %get3A_241] {strides = array<i32>} : memref<128x64xi32, #tpu.memory_space<vmem>>, vector<16xi32>,
        %bitcast3A_243 = vector.bitcast %get3A_242 : vector<16xi32> to vector<32xbf16>
        %unpack3A_244 = tpu.unpack_subelements %bitcast3A_243, 0 {pack_format = #tpu.pack_format<interleaved>} : vector<32xbf16> -> vector<16xf32>
        %unpack3A_245 = tpu.unpack_subelements %bitcast3A_243, 1 {pack_format = #tpu.pack_format<interleaved>} : vector<32xbf16> -> vector<16xf32>
        %mul3A_246 = arith.mulf %unpack3A_244, %gather3A : vector<16xf32>
        %swap3A_247 = arith.index_cast %scan3A_212 : i32 to index
        %swap3A_248 = arith.constant 32 : index
        %swap3A_249 = tpu.vector_load %arg12[%swap3A_247, %swap3A_248] {strides = array<i32>} : memref<128x128xf32, #tpu.memory_space<vmem>>, vector<16xf32>,
        tpu.vector_store %arg12[%swap3A_247, %swap3A_248], %mul3A_246 {strides = array<i32>} : memref<128x128xf32, #tpu.memory_space<vmem>>, vector<16xf32>,
        %mul3A_250 = arith.mulf %unpack3A_245, %gather3A : vector<16xf32>
        %swap3A_251 = arith.index_cast %scan3A_212 : i32 to index
        %swap3A_252 = arith.constant 96 : index
        %swap3A_253 = tpu.vector_load %arg12[%swap3A_251, %swap3A_252] {strides = array<i32>} : memref<128x128xf32, #tpu.memory_space<vmem>>, vector<16xf32>,
        tpu.vector_store %arg12[%swap3A_251, %swap3A_252], %mul3A_250 {strides = array<i32>} : memref<128x128xf32, #tpu.memory_space<vmem>>, vector<16xf32>,
        %get3A_254 = arith.index_cast %scan3A_212 : i32 to index
        %get3A_255 = arith.constant 48 : index
        %get3A_256 = tpu.vector_load %arg10[%get3A_254, %get3A_255] {strides = array<i32>} : memref<128x64xi32, #tpu.memory_space<vmem>>, vector<16xi32>,
        %bitcast3A_257 = vector.bitcast %get3A_256 : vector<16xi32> to vector<32xbf16>
        %unpack3A_258 = tpu.unpack_subelements %bitcast3A_257, 0 {pack_format = #tpu.pack_format<interleaved>} : vector<32xbf16> -> vector<16xf32>
        %unpack3A_259 = tpu.unpack_subelements %bitcast3A_257, 1 {pack_format = #tpu.pack_format<interleaved>} : vector<32xbf16> -> vector<16xf32>
        %mul3A_260 = arith.mulf %unpack3A_258, %gather3A : vector<16xf32>
        %swap3A_261 = arith.index_cast %scan3A_212 : i32 to index
        %swap3A_262 = arith.constant 48 : index
        %swap3A_263 = tpu.vector_load %arg12[%swap3A_261, %swap3A_262] {strides = array<i32>} : memref<128x128xf32, #tpu.memory_space<vmem>>, vector<16xf32>,
        tpu.vector_store %arg12[%swap3A_261, %swap3A_262], %mul3A_260 {strides = array<i32>} : memref<128x128xf32, #tpu.memory_space<vmem>>, vector<16xf32>,
        %mul3A_264 = arith.mulf %unpack3A_259, %gather3A : vector<16xf32>
        %swap3A_265 = arith.index_cast %scan3A_212 : i32 to index
        %swap3A_266 = arith.constant 112 : index
        %swap3A_267 = tpu.vector_load %arg12[%swap3A_265, %swap3A_266] {strides = array<i32>} : memref<128x128xf32, #tpu.memory_space<vmem>>, vector<16xf32>,
        tpu.vector_store %arg12[%swap3A_265, %swap3A_266], %mul3A_264 {strides = array<i32>} : memref<128x128xf32, #tpu.memory_space<vmem>>, vector<16xf32>,
        %scan3A_268 = arith.constant 0 : i32
        scf.yield %scan3A_268 : i32
      }
      %scan3A_148 = arith.constant 128 : i32
      %mul3A_149 = arith.constant 8 : i32
      %mul3A_150 = arith.muli %scan3A_40, %mul3A_149 : i32
      %add3A_151 = arith.constant 4 : i32
      %add3A_152 = arith.addi %mul3A_150, %add3A_151 : i32
      "tpu.region"() ({
        %run_scoped3A = tpu.sem_alloc : memref<!tpu.dma_semaphore, #tpu.memory_space<semaphore_mem>>
        %dma_start3A_212 = arith.constant 0 : i32
        %dma_start3A_213 = tpu.memref_slice %arg9[%add3A_152, %dma_start3A_212] : memref<80x128xi32, #tpu.memory_space<vmem>> -> memref<1x128xi32, #tpu.memory_space<vmem>>
        %dma_start3A_214 = tpu.memref_squeeze %dma_start3A_213 : memref<1x128xi32, #tpu.memory_space<vmem>> -> memref<128xi32, #tpu.memory_space<vmem>>
        %dma_start3A_215 = arith.constant 0 : i32
        %dma_start3A_216 = arith.constant 0 : i32
        %dma_start3A_217 = tpu.memref_slice %arg13[%dma_start3A_215, %dma_start3A_216] : memref<10240x128xf32, #tpu.memory_space<vmem_shared>> -> memref<10240x128xf32, #tpu.memory_space<vmem_shared>>
        tpu.enqueue_indirect_dma source(%arg12 : memref<128x128xf32, #tpu.memory_space<vmem>>) target(%dma_start3A_217 : memref<10240x128xf32, #tpu.memory_space<vmem_shared>>) offsets(%dma_start3A_214 : memref<128xi32, #tpu.memory_space<vmem>>) semaphore(%run_scoped3A : memref<!tpu.dma_semaphore, #tpu.memory_space<semaphore_mem>>) {add = true}
        %dma_wait3A_218 = arith.constant 0 : i32
        %dma_wait3A_219 = tpu.memref_slice %arg9[%add3A_152, %dma_wait3A_218] : memref<80x128xi32, #tpu.memory_space<vmem>> -> memref<1x128xi32, #tpu.memory_space<vmem>>
        %dma_wait3A_220 = tpu.memref_squeeze %dma_wait3A_219 : memref<1x128xi32, #tpu.memory_space<vmem>> -> memref<128xi32, #tpu.memory_space<vmem>>
        %dma_wait3A_221 = arith.constant 0 : i32
        %dma_wait3A_222 = arith.constant 0 : i32
        %dma_wait3A_223 = tpu.memref_slice %arg13[%dma_wait3A_221, %dma_wait3A_222] : memref<10240x128xf32, #tpu.memory_space<vmem_shared>> -> memref<10240x128xf32, #tpu.memory_space<vmem_shared>>
        tpu.wait_indirect_dma semaphore(%run_scoped3A : memref<!tpu.dma_semaphore, #tpu.memory_space<semaphore_mem>>) src(%arg12 : memref<128x128xf32, #tpu.memory_space<vmem>>) dst(%dma_wait3A_223 : memref<10240x128xf32, #tpu.memory_space<vmem_shared>>)
        tpu.yield
      }) : () -> ()
      %dma_wait3A_153 = arith.constant 640 : i32
      %dma_wait3A_154 = tpu.memref_slice %arg7[%dma_wait3A_153] : memref<1024xi32, #tpu.memory_space<vmem>> -> memref<128xi32, #tpu.memory_space<vmem>>
      %dma_wait3A_155 = arith.constant 0 : i32
      %dma_wait3A_156 = arith.constant 0 : i32
      %dma_wait3A_157 = tpu.memref_slice %arg2[%dma_wait3A_155, %dma_wait3A_156] : memref<10000x64xi32, #tpu.memory_space<hbm>> -> memref<10000x64xi32, #tpu.memory_space<hbm>>
      tpu.wait_indirect_dma semaphore(%arg14 : memref<!tpu.dma_semaphore, #tpu.memory_space<semaphore_mem>>) src(%dma_wait3A_157 : memref<10000x64xi32, #tpu.memory_space<hbm>>) dst(%arg11 : memref<128x64xi32, #tpu.memory_space<vmem>>)
      %dma_start3A_158 = arith.constant 768 : i32
      %dma_start3A_159 = tpu.memref_slice %arg7[%dma_start3A_158] : memref<1024xi32, #tpu.memory_space<vmem>> -> memref<128xi32, #tpu.memory_space<vmem>>
      %dma_start3A_160 = arith.constant 0 : i32
      %dma_start3A_161 = arith.constant 0 : i32
      %dma_start3A_162 = tpu.memref_slice %arg2[%dma_start3A_160, %dma_start3A_161] : memref<10000x64xi32, #tpu.memory_space<hbm>> -> memref<10000x64xi32, #tpu.memory_space<hbm>>
      tpu.enqueue_indirect_dma source(%dma_start3A_162 : memref<10000x64xi32, #tpu.memory_space<hbm>>) target(%arg10 : memref<128x64xi32, #tpu.memory_space<vmem>>) offsets(%dma_start3A_159 : memref<128xi32, #tpu.memory_space<vmem>>) semaphore(%arg14 : memref<!tpu.dma_semaphore, #tpu.memory_space<semaphore_mem>>)
      %scan3A_163 = arith.constant 0 : i32
      %scan3A_164 = arith.constant 0 : i32
      %scan3A_165 = arith.constant 128 : i32
      %scan3A_166 = arith.addi %scan3A_164, %scan3A_165 : i32
      %scan3A_167 = arith.constant 1 : i32
      %scan3A_168 = scf.for %scan3A_212 = %scan3A_164 to %scan3A_166 step %scan3A_167 iter_args(%scan3A_213 = %scan3A_163) -> (i32)  : i32 {
        %add3A_214 = arith.constant 640 : i32
        %add3A_215 = arith.addi %add3A_214, %scan3A_212 : i32
        %broadcast_in_dim3A = vector.broadcast %add3A_215 : i32 to vector<16xi32>
        %gather3A = tpu.vector_load_idx %arg8[%broadcast_in_dim3A] : memref<1024xf32, #tpu.memory_space<vmem>>[vector<16xi32>], vector<16xf32>,
        %get3A = arith.index_cast %scan3A_212 : i32 to index
        %get3A_216 = arith.constant 0 : index
        %get3A_217 = tpu.vector_load %arg11[%get3A, %get3A_216] {strides = array<i32>} : memref<128x64xi32, #tpu.memory_space<vmem>>, vector<16xi32>,
        %bitcast3A = vector.bitcast %get3A_217 : vector<16xi32> to vector<32xbf16>
        %unpack3A = tpu.unpack_subelements %bitcast3A, 0 {pack_format = #tpu.pack_format<interleaved>} : vector<32xbf16> -> vector<16xf32>
        %unpack3A_218 = tpu.unpack_subelements %bitcast3A, 1 {pack_format = #tpu.pack_format<interleaved>} : vector<32xbf16> -> vector<16xf32>
        %mul3A_219 = arith.mulf %unpack3A, %gather3A : vector<16xf32>
        %swap3A = arith.index_cast %scan3A_212 : i32 to index
        %swap3A_220 = arith.constant 0 : index
        %swap3A_221 = tpu.vector_load %arg12[%swap3A, %swap3A_220] {strides = array<i32>} : memref<128x128xf32, #tpu.memory_space<vmem>>, vector<16xf32>,
        tpu.vector_store %arg12[%swap3A, %swap3A_220], %mul3A_219 {strides = array<i32>} : memref<128x128xf32, #tpu.memory_space<vmem>>, vector<16xf32>,
        %mul3A_222 = arith.mulf %unpack3A_218, %gather3A : vector<16xf32>
        %swap3A_223 = arith.index_cast %scan3A_212 : i32 to index
        %swap3A_224 = arith.constant 64 : index
        %swap3A_225 = tpu.vector_load %arg12[%swap3A_223, %swap3A_224] {strides = array<i32>} : memref<128x128xf32, #tpu.memory_space<vmem>>, vector<16xf32>,
        tpu.vector_store %arg12[%swap3A_223, %swap3A_224], %mul3A_222 {strides = array<i32>} : memref<128x128xf32, #tpu.memory_space<vmem>>, vector<16xf32>,
        %get3A_226 = arith.index_cast %scan3A_212 : i32 to index
        %get3A_227 = arith.constant 16 : index
        %get3A_228 = tpu.vector_load %arg11[%get3A_226, %get3A_227] {strides = array<i32>} : memref<128x64xi32, #tpu.memory_space<vmem>>, vector<16xi32>,
        %bitcast3A_229 = vector.bitcast %get3A_228 : vector<16xi32> to vector<32xbf16>
        %unpack3A_230 = tpu.unpack_subelements %bitcast3A_229, 0 {pack_format = #tpu.pack_format<interleaved>} : vector<32xbf16> -> vector<16xf32>
        %unpack3A_231 = tpu.unpack_subelements %bitcast3A_229, 1 {pack_format = #tpu.pack_format<interleaved>} : vector<32xbf16> -> vector<16xf32>
        %mul3A_232 = arith.mulf %unpack3A_230, %gather3A : vector<16xf32>
        %swap3A_233 = arith.index_cast %scan3A_212 : i32 to index
        %swap3A_234 = arith.constant 16 : index
        %swap3A_235 = tpu.vector_load %arg12[%swap3A_233, %swap3A_234] {strides = array<i32>} : memref<128x128xf32, #tpu.memory_space<vmem>>, vector<16xf32>,
        tpu.vector_store %arg12[%swap3A_233, %swap3A_234], %mul3A_232 {strides = array<i32>} : memref<128x128xf32, #tpu.memory_space<vmem>>, vector<16xf32>,
        %mul3A_236 = arith.mulf %unpack3A_231, %gather3A : vector<16xf32>
        %swap3A_237 = arith.index_cast %scan3A_212 : i32 to index
        %swap3A_238 = arith.constant 80 : index
        %swap3A_239 = tpu.vector_load %arg12[%swap3A_237, %swap3A_238] {strides = array<i32>} : memref<128x128xf32, #tpu.memory_space<vmem>>, vector<16xf32>,
        tpu.vector_store %arg12[%swap3A_237, %swap3A_238], %mul3A_236 {strides = array<i32>} : memref<128x128xf32, #tpu.memory_space<vmem>>, vector<16xf32>,
        %get3A_240 = arith.index_cast %scan3A_212 : i32 to index
        %get3A_241 = arith.constant 32 : index
        %get3A_242 = tpu.vector_load %arg11[%get3A_240, %get3A_241] {strides = array<i32>} : memref<128x64xi32, #tpu.memory_space<vmem>>, vector<16xi32>,
        %bitcast3A_243 = vector.bitcast %get3A_242 : vector<16xi32> to vector<32xbf16>
        %unpack3A_244 = tpu.unpack_subelements %bitcast3A_243, 0 {pack_format = #tpu.pack_format<interleaved>} : vector<32xbf16> -> vector<16xf32>
        %unpack3A_245 = tpu.unpack_subelements %bitcast3A_243, 1 {pack_format = #tpu.pack_format<interleaved>} : vector<32xbf16> -> vector<16xf32>
        %mul3A_246 = arith.mulf %unpack3A_244, %gather3A : vector<16xf32>
        %swap3A_247 = arith.index_cast %scan3A_212 : i32 to index
        %swap3A_248 = arith.constant 32 : index
        %swap3A_249 = tpu.vector_load %arg12[%swap3A_247, %swap3A_248] {strides = array<i32>} : memref<128x128xf32, #tpu.memory_space<vmem>>, vector<16xf32>,
        tpu.vector_store %arg12[%swap3A_247, %swap3A_248], %mul3A_246 {strides = array<i32>} : memref<128x128xf32, #tpu.memory_space<vmem>>, vector<16xf32>,
        %mul3A_250 = arith.mulf %unpack3A_245, %gather3A : vector<16xf32>
        %swap3A_251 = arith.index_cast %scan3A_212 : i32 to index
        %swap3A_252 = arith.constant 96 : index
        %swap3A_253 = tpu.vector_load %arg12[%swap3A_251, %swap3A_252] {strides = array<i32>} : memref<128x128xf32, #tpu.memory_space<vmem>>, vector<16xf32>,
        tpu.vector_store %arg12[%swap3A_251, %swap3A_252], %mul3A_250 {strides = array<i32>} : memref<128x128xf32, #tpu.memory_space<vmem>>, vector<16xf32>,
        %get3A_254 = arith.index_cast %scan3A_212 : i32 to index
        %get3A_255 = arith.constant 48 : index
        %get3A_256 = tpu.vector_load %arg11[%get3A_254, %get3A_255] {strides = array<i32>} : memref<128x64xi32, #tpu.memory_space<vmem>>, vector<16xi32>,
        %bitcast3A_257 = vector.bitcast %get3A_256 : vector<16xi32> to vector<32xbf16>
        %unpack3A_258 = tpu.unpack_subelements %bitcast3A_257, 0 {pack_format = #tpu.pack_format<interleaved>} : vector<32xbf16> -> vector<16xf32>
        %unpack3A_259 = tpu.unpack_subelements %bitcast3A_257, 1 {pack_format = #tpu.pack_format<interleaved>} : vector<32xbf16> -> vector<16xf32>
        %mul3A_260 = arith.mulf %unpack3A_258, %gather3A : vector<16xf32>
        %swap3A_261 = arith.index_cast %scan3A_212 : i32 to index
        %swap3A_262 = arith.constant 48 : index
        %swap3A_263 = tpu.vector_load %arg12[%swap3A_261, %swap3A_262] {strides = array<i32>} : memref<128x128xf32, #tpu.memory_space<vmem>>, vector<16xf32>,
        tpu.vector_store %arg12[%swap3A_261, %swap3A_262], %mul3A_260 {strides = array<i32>} : memref<128x128xf32, #tpu.memory_space<vmem>>, vector<16xf32>,
        %mul3A_264 = arith.mulf %unpack3A_259, %gather3A : vector<16xf32>
        %swap3A_265 = arith.index_cast %scan3A_212 : i32 to index
        %swap3A_266 = arith.constant 112 : index
        %swap3A_267 = tpu.vector_load %arg12[%swap3A_265, %swap3A_266] {strides = array<i32>} : memref<128x128xf32, #tpu.memory_space<vmem>>, vector<16xf32>,
        tpu.vector_store %arg12[%swap3A_265, %swap3A_266], %mul3A_264 {strides = array<i32>} : memref<128x128xf32, #tpu.memory_space<vmem>>, vector<16xf32>,
        %scan3A_268 = arith.constant 0 : i32
        scf.yield %scan3A_268 : i32
      }
      %scan3A_169 = arith.constant 128 : i32
      %mul3A_170 = arith.constant 8 : i32
      %mul3A_171 = arith.muli %scan3A_40, %mul3A_170 : i32
      %add3A_172 = arith.constant 5 : i32
      %add3A_173 = arith.addi %mul3A_171, %add3A_172 : i32
      "tpu.region"() ({
        %run_scoped3A = tpu.sem_alloc : memref<!tpu.dma_semaphore, #tpu.memory_space<semaphore_mem>>
        %dma_start3A_212 = arith.constant 0 : i32
        %dma_start3A_213 = tpu.memref_slice %arg9[%add3A_173, %dma_start3A_212] : memref<80x128xi32, #tpu.memory_space<vmem>> -> memref<1x128xi32, #tpu.memory_space<vmem>>
        %dma_start3A_214 = tpu.memref_squeeze %dma_start3A_213 : memref<1x128xi32, #tpu.memory_space<vmem>> -> memref<128xi32, #tpu.memory_space<vmem>>
        %dma_start3A_215 = arith.constant 0 : i32
        %dma_start3A_216 = arith.constant 0 : i32
        %dma_start3A_217 = tpu.memref_slice %arg13[%dma_start3A_215, %dma_start3A_216] : memref<10240x128xf32, #tpu.memory_space<vmem_shared>> -> memref<10240x128xf32, #tpu.memory_space<vmem_shared>>
        tpu.enqueue_indirect_dma source(%arg12 : memref<128x128xf32, #tpu.memory_space<vmem>>) target(%dma_start3A_217 : memref<10240x128xf32, #tpu.memory_space<vmem_shared>>) offsets(%dma_start3A_214 : memref<128xi32, #tpu.memory_space<vmem>>) semaphore(%run_scoped3A : memref<!tpu.dma_semaphore, #tpu.memory_space<semaphore_mem>>) {add = true}
        %dma_wait3A_218 = arith.constant 0 : i32
        %dma_wait3A_219 = tpu.memref_slice %arg9[%add3A_173, %dma_wait3A_218] : memref<80x128xi32, #tpu.memory_space<vmem>> -> memref<1x128xi32, #tpu.memory_space<vmem>>
        %dma_wait3A_220 = tpu.memref_squeeze %dma_wait3A_219 : memref<1x128xi32, #tpu.memory_space<vmem>> -> memref<128xi32, #tpu.memory_space<vmem>>
        %dma_wait3A_221 = arith.constant 0 : i32
        %dma_wait3A_222 = arith.constant 0 : i32
        %dma_wait3A_223 = tpu.memref_slice %arg13[%dma_wait3A_221, %dma_wait3A_222] : memref<10240x128xf32, #tpu.memory_space<vmem_shared>> -> memref<10240x128xf32, #tpu.memory_space<vmem_shared>>
        tpu.wait_indirect_dma semaphore(%run_scoped3A : memref<!tpu.dma_semaphore, #tpu.memory_space<semaphore_mem>>) src(%arg12 : memref<128x128xf32, #tpu.memory_space<vmem>>) dst(%dma_wait3A_223 : memref<10240x128xf32, #tpu.memory_space<vmem_shared>>)
        tpu.yield
      }) : () -> ()
      %dma_wait3A_174 = arith.constant 768 : i32
      %dma_wait3A_175 = tpu.memref_slice %arg7[%dma_wait3A_174] : memref<1024xi32, #tpu.memory_space<vmem>> -> memref<128xi32, #tpu.memory_space<vmem>>
      %dma_wait3A_176 = arith.constant 0 : i32
      %dma_wait3A_177 = arith.constant 0 : i32
      %dma_wait3A_178 = tpu.memref_slice %arg2[%dma_wait3A_176, %dma_wait3A_177] : memref<10000x64xi32, #tpu.memory_space<hbm>> -> memref<10000x64xi32, #tpu.memory_space<hbm>>
      tpu.wait_indirect_dma semaphore(%arg14 : memref<!tpu.dma_semaphore, #tpu.memory_space<semaphore_mem>>) src(%dma_wait3A_178 : memref<10000x64xi32, #tpu.memory_space<hbm>>) dst(%arg10 : memref<128x64xi32, #tpu.memory_space<vmem>>)
      %dma_start3A_179 = arith.constant 896 : i32
      %dma_start3A_180 = tpu.memref_slice %arg7[%dma_start3A_179] : memref<1024xi32, #tpu.memory_space<vmem>> -> memref<128xi32, #tpu.memory_space<vmem>>
      %dma_start3A_181 = arith.constant 0 : i32
      %dma_start3A_182 = arith.constant 0 : i32
      %dma_start3A_183 = tpu.memref_slice %arg2[%dma_start3A_181, %dma_start3A_182] : memref<10000x64xi32, #tpu.memory_space<hbm>> -> memref<10000x64xi32, #tpu.memory_space<hbm>>
      tpu.enqueue_indirect_dma source(%dma_start3A_183 : memref<10000x64xi32, #tpu.memory_space<hbm>>) target(%arg11 : memref<128x64xi32, #tpu.memory_space<vmem>>) offsets(%dma_start3A_180 : memref<128xi32, #tpu.memory_space<vmem>>) semaphore(%arg14 : memref<!tpu.dma_semaphore, #tpu.memory_space<semaphore_mem>>)
      %scan3A_184 = arith.constant 0 : i32
      %scan3A_185 = arith.constant 0 : i32
      %scan3A_186 = arith.constant 128 : i32
      %scan3A_187 = arith.addi %scan3A_185, %scan3A_186 : i32
      %scan3A_188 = arith.constant 1 : i32
      %scan3A_189 = scf.for %scan3A_212 = %scan3A_185 to %scan3A_187 step %scan3A_188 iter_args(%scan3A_213 = %scan3A_184) -> (i32)  : i32 {
        %add3A_214 = arith.constant 768 : i32
        %add3A_215 = arith.addi %add3A_214, %scan3A_212 : i32
        %broadcast_in_dim3A = vector.broadcast %add3A_215 : i32 to vector<16xi32>
        %gather3A = tpu.vector_load_idx %arg8[%broadcast_in_dim3A] : memref<1024xf32, #tpu.memory_space<vmem>>[vector<16xi32>], vector<16xf32>,
        %get3A = arith.index_cast %scan3A_212 : i32 to index
        %get3A_216 = arith.constant 0 : index
        %get3A_217 = tpu.vector_load %arg10[%get3A, %get3A_216] {strides = array<i32>} : memref<128x64xi32, #tpu.memory_space<vmem>>, vector<16xi32>,
        %bitcast3A = vector.bitcast %get3A_217 : vector<16xi32> to vector<32xbf16>
        %unpack3A = tpu.unpack_subelements %bitcast3A, 0 {pack_format = #tpu.pack_format<interleaved>} : vector<32xbf16> -> vector<16xf32>
        %unpack3A_218 = tpu.unpack_subelements %bitcast3A, 1 {pack_format = #tpu.pack_format<interleaved>} : vector<32xbf16> -> vector<16xf32>
        %mul3A_219 = arith.mulf %unpack3A, %gather3A : vector<16xf32>
        %swap3A = arith.index_cast %scan3A_212 : i32 to index
        %swap3A_220 = arith.constant 0 : index
        %swap3A_221 = tpu.vector_load %arg12[%swap3A, %swap3A_220] {strides = array<i32>} : memref<128x128xf32, #tpu.memory_space<vmem>>, vector<16xf32>,
        tpu.vector_store %arg12[%swap3A, %swap3A_220], %mul3A_219 {strides = array<i32>} : memref<128x128xf32, #tpu.memory_space<vmem>>, vector<16xf32>,
        %mul3A_222 = arith.mulf %unpack3A_218, %gather3A : vector<16xf32>
        %swap3A_223 = arith.index_cast %scan3A_212 : i32 to index
        %swap3A_224 = arith.constant 64 : index
        %swap3A_225 = tpu.vector_load %arg12[%swap3A_223, %swap3A_224] {strides = array<i32>} : memref<128x128xf32, #tpu.memory_space<vmem>>, vector<16xf32>,
        tpu.vector_store %arg12[%swap3A_223, %swap3A_224], %mul3A_222 {strides = array<i32>} : memref<128x128xf32, #tpu.memory_space<vmem>>, vector<16xf32>,
        %get3A_226 = arith.index_cast %scan3A_212 : i32 to index
        %get3A_227 = arith.constant 16 : index
        %get3A_228 = tpu.vector_load %arg10[%get3A_226, %get3A_227] {strides = array<i32>} : memref<128x64xi32, #tpu.memory_space<vmem>>, vector<16xi32>,
        %bitcast3A_229 = vector.bitcast %get3A_228 : vector<16xi32> to vector<32xbf16>
        %unpack3A_230 = tpu.unpack_subelements %bitcast3A_229, 0 {pack_format = #tpu.pack_format<interleaved>} : vector<32xbf16> -> vector<16xf32>
        %unpack3A_231 = tpu.unpack_subelements %bitcast3A_229, 1 {pack_format = #tpu.pack_format<interleaved>} : vector<32xbf16> -> vector<16xf32>
        %mul3A_232 = arith.mulf %unpack3A_230, %gather3A : vector<16xf32>
        %swap3A_233 = arith.index_cast %scan3A_212 : i32 to index
        %swap3A_234 = arith.constant 16 : index
        %swap3A_235 = tpu.vector_load %arg12[%swap3A_233, %swap3A_234] {strides = array<i32>} : memref<128x128xf32, #tpu.memory_space<vmem>>, vector<16xf32>,
        tpu.vector_store %arg12[%swap3A_233, %swap3A_234], %mul3A_232 {strides = array<i32>} : memref<128x128xf32, #tpu.memory_space<vmem>>, vector<16xf32>,
        %mul3A_236 = arith.mulf %unpack3A_231, %gather3A : vector<16xf32>
        %swap3A_237 = arith.index_cast %scan3A_212 : i32 to index
        %swap3A_238 = arith.constant 80 : index
        %swap3A_239 = tpu.vector_load %arg12[%swap3A_237, %swap3A_238] {strides = array<i32>} : memref<128x128xf32, #tpu.memory_space<vmem>>, vector<16xf32>,
        tpu.vector_store %arg12[%swap3A_237, %swap3A_238], %mul3A_236 {strides = array<i32>} : memref<128x128xf32, #tpu.memory_space<vmem>>, vector<16xf32>,
        %get3A_240 = arith.index_cast %scan3A_212 : i32 to index
        %get3A_241 = arith.constant 32 : index
        %get3A_242 = tpu.vector_load %arg10[%get3A_240, %get3A_241] {strides = array<i32>} : memref<128x64xi32, #tpu.memory_space<vmem>>, vector<16xi32>,
        %bitcast3A_243 = vector.bitcast %get3A_242 : vector<16xi32> to vector<32xbf16>
        %unpack3A_244 = tpu.unpack_subelements %bitcast3A_243, 0 {pack_format = #tpu.pack_format<interleaved>} : vector<32xbf16> -> vector<16xf32>
        %unpack3A_245 = tpu.unpack_subelements %bitcast3A_243, 1 {pack_format = #tpu.pack_format<interleaved>} : vector<32xbf16> -> vector<16xf32>
        %mul3A_246 = arith.mulf %unpack3A_244, %gather3A : vector<16xf32>
        %swap3A_247 = arith.index_cast %scan3A_212 : i32 to index
        %swap3A_248 = arith.constant 32 : index
        %swap3A_249 = tpu.vector_load %arg12[%swap3A_247, %swap3A_248] {strides = array<i32>} : memref<128x128xf32, #tpu.memory_space<vmem>>, vector<16xf32>,
        tpu.vector_store %arg12[%swap3A_247, %swap3A_248], %mul3A_246 {strides = array<i32>} : memref<128x128xf32, #tpu.memory_space<vmem>>, vector<16xf32>,
        %mul3A_250 = arith.mulf %unpack3A_245, %gather3A : vector<16xf32>
        %swap3A_251 = arith.index_cast %scan3A_212 : i32 to index
        %swap3A_252 = arith.constant 96 : index
        %swap3A_253 = tpu.vector_load %arg12[%swap3A_251, %swap3A_252] {strides = array<i32>} : memref<128x128xf32, #tpu.memory_space<vmem>>, vector<16xf32>,
        tpu.vector_store %arg12[%swap3A_251, %swap3A_252], %mul3A_250 {strides = array<i32>} : memref<128x128xf32, #tpu.memory_space<vmem>>, vector<16xf32>,
        %get3A_254 = arith.index_cast %scan3A_212 : i32 to index
        %get3A_255 = arith.constant 48 : index
        %get3A_256 = tpu.vector_load %arg10[%get3A_254, %get3A_255] {strides = array<i32>} : memref<128x64xi32, #tpu.memory_space<vmem>>, vector<16xi32>,
        %bitcast3A_257 = vector.bitcast %get3A_256 : vector<16xi32> to vector<32xbf16>
        %unpack3A_258 = tpu.unpack_subelements %bitcast3A_257, 0 {pack_format = #tpu.pack_format<interleaved>} : vector<32xbf16> -> vector<16xf32>
        %unpack3A_259 = tpu.unpack_subelements %bitcast3A_257, 1 {pack_format = #tpu.pack_format<interleaved>} : vector<32xbf16> -> vector<16xf32>
        %mul3A_260 = arith.mulf %unpack3A_258, %gather3A : vector<16xf32>
        %swap3A_261 = arith.index_cast %scan3A_212 : i32 to index
        %swap3A_262 = arith.constant 48 : index
        %swap3A_263 = tpu.vector_load %arg12[%swap3A_261, %swap3A_262] {strides = array<i32>} : memref<128x128xf32, #tpu.memory_space<vmem>>, vector<16xf32>,
        tpu.vector_store %arg12[%swap3A_261, %swap3A_262], %mul3A_260 {strides = array<i32>} : memref<128x128xf32, #tpu.memory_space<vmem>>, vector<16xf32>,
        %mul3A_264 = arith.mulf %unpack3A_259, %gather3A : vector<16xf32>
        %swap3A_265 = arith.index_cast %scan3A_212 : i32 to index
        %swap3A_266 = arith.constant 112 : index
        %swap3A_267 = tpu.vector_load %arg12[%swap3A_265, %swap3A_266] {strides = array<i32>} : memref<128x128xf32, #tpu.memory_space<vmem>>, vector<16xf32>,
        tpu.vector_store %arg12[%swap3A_265, %swap3A_266], %mul3A_264 {strides = array<i32>} : memref<128x128xf32, #tpu.memory_space<vmem>>, vector<16xf32>,
        %scan3A_268 = arith.constant 0 : i32
        scf.yield %scan3A_268 : i32
      }
      %scan3A_190 = arith.constant 128 : i32
      %mul3A_191 = arith.constant 8 : i32
      %mul3A_192 = arith.muli %scan3A_40, %mul3A_191 : i32
      %add3A_193 = arith.constant 6 : i32
      %add3A_194 = arith.addi %mul3A_192, %add3A_193 : i32
      "tpu.region"() ({
        %run_scoped3A = tpu.sem_alloc : memref<!tpu.dma_semaphore, #tpu.memory_space<semaphore_mem>>
        %dma_start3A_212 = arith.constant 0 : i32
        %dma_start3A_213 = tpu.memref_slice %arg9[%add3A_194, %dma_start3A_212] : memref<80x128xi32, #tpu.memory_space<vmem>> -> memref<1x128xi32, #tpu.memory_space<vmem>>
        %dma_start3A_214 = tpu.memref_squeeze %dma_start3A_213 : memref<1x128xi32, #tpu.memory_space<vmem>> -> memref<128xi32, #tpu.memory_space<vmem>>
        %dma_start3A_215 = arith.constant 0 : i32
        %dma_start3A_216 = arith.constant 0 : i32
        %dma_start3A_217 = tpu.memref_slice %arg13[%dma_start3A_215, %dma_start3A_216] : memref<10240x128xf32, #tpu.memory_space<vmem_shared>> -> memref<10240x128xf32, #tpu.memory_space<vmem_shared>>
        tpu.enqueue_indirect_dma source(%arg12 : memref<128x128xf32, #tpu.memory_space<vmem>>) target(%dma_start3A_217 : memref<10240x128xf32, #tpu.memory_space<vmem_shared>>) offsets(%dma_start3A_214 : memref<128xi32, #tpu.memory_space<vmem>>) semaphore(%run_scoped3A : memref<!tpu.dma_semaphore, #tpu.memory_space<semaphore_mem>>) {add = true}
        %dma_wait3A_218 = arith.constant 0 : i32
        %dma_wait3A_219 = tpu.memref_slice %arg9[%add3A_194, %dma_wait3A_218] : memref<80x128xi32, #tpu.memory_space<vmem>> -> memref<1x128xi32, #tpu.memory_space<vmem>>
        %dma_wait3A_220 = tpu.memref_squeeze %dma_wait3A_219 : memref<1x128xi32, #tpu.memory_space<vmem>> -> memref<128xi32, #tpu.memory_space<vmem>>
        %dma_wait3A_221 = arith.constant 0 : i32
        %dma_wait3A_222 = arith.constant 0 : i32
        %dma_wait3A_223 = tpu.memref_slice %arg13[%dma_wait3A_221, %dma_wait3A_222] : memref<10240x128xf32, #tpu.memory_space<vmem_shared>> -> memref<10240x128xf32, #tpu.memory_space<vmem_shared>>
        tpu.wait_indirect_dma semaphore(%run_scoped3A : memref<!tpu.dma_semaphore, #tpu.memory_space<semaphore_mem>>) src(%arg12 : memref<128x128xf32, #tpu.memory_space<vmem>>) dst(%dma_wait3A_223 : memref<10240x128xf32, #tpu.memory_space<vmem_shared>>)
        tpu.yield
      }) : () -> ()
      %dma_wait3A_195 = arith.constant 896 : i32
      %dma_wait3A_196 = tpu.memref_slice %arg7[%dma_wait3A_195] : memref<1024xi32, #tpu.memory_space<vmem>> -> memref<128xi32, #tpu.memory_space<vmem>>
      %dma_wait3A_197 = arith.constant 0 : i32
      %dma_wait3A_198 = arith.constant 0 : i32
      %dma_wait3A_199 = tpu.memref_slice %arg2[%dma_wait3A_197, %dma_wait3A_198] : memref<10000x64xi32, #tpu.memory_space<hbm>> -> memref<10000x64xi32, #tpu.memory_space<hbm>>
      tpu.wait_indirect_dma semaphore(%arg14 : memref<!tpu.dma_semaphore, #tpu.memory_space<semaphore_mem>>) src(%dma_wait3A_199 : memref<10000x64xi32, #tpu.memory_space<hbm>>) dst(%arg11 : memref<128x64xi32, #tpu.memory_space<vmem>>)
      %scan3A_200 = arith.constant 0 : i32
      %scan3A_201 = arith.constant 0 : i32
      %scan3A_202 = arith.constant 128 : i32
      %scan3A_203 = arith.addi %scan3A_201, %scan3A_202 : i32
      %scan3A_204 = arith.constant 1 : i32
      %scan3A_205 = scf.for %scan3A_212 = %scan3A_201 to %scan3A_203 step %scan3A_204 iter_args(%scan3A_213 = %scan3A_200) -> (i32)  : i32 {
        %add3A_214 = arith.constant 896 : i32
        %add3A_215 = arith.addi %add3A_214, %scan3A_212 : i32
        %broadcast_in_dim3A = vector.broadcast %add3A_215 : i32 to vector<16xi32>
        %gather3A = tpu.vector_load_idx %arg8[%broadcast_in_dim3A] : memref<1024xf32, #tpu.memory_space<vmem>>[vector<16xi32>], vector<16xf32>,
        %get3A = arith.index_cast %scan3A_212 : i32 to index
        %get3A_216 = arith.constant 0 : index
        %get3A_217 = tpu.vector_load %arg11[%get3A, %get3A_216] {strides = array<i32>} : memref<128x64xi32, #tpu.memory_space<vmem>>, vector<16xi32>,
        %bitcast3A = vector.bitcast %get3A_217 : vector<16xi32> to vector<32xbf16>
        %unpack3A = tpu.unpack_subelements %bitcast3A, 0 {pack_format = #tpu.pack_format<interleaved>} : vector<32xbf16> -> vector<16xf32>
        %unpack3A_218 = tpu.unpack_subelements %bitcast3A, 1 {pack_format = #tpu.pack_format<interleaved>} : vector<32xbf16> -> vector<16xf32>
        %mul3A_219 = arith.mulf %unpack3A, %gather3A : vector<16xf32>
        %swap3A = arith.index_cast %scan3A_212 : i32 to index
        %swap3A_220 = arith.constant 0 : index
        %swap3A_221 = tpu.vector_load %arg12[%swap3A, %swap3A_220] {strides = array<i32>} : memref<128x128xf32, #tpu.memory_space<vmem>>, vector<16xf32>,
        tpu.vector_store %arg12[%swap3A, %swap3A_220], %mul3A_219 {strides = array<i32>} : memref<128x128xf32, #tpu.memory_space<vmem>>, vector<16xf32>,
        %mul3A_222 = arith.mulf %unpack3A_218, %gather3A : vector<16xf32>
        %swap3A_223 = arith.index_cast %scan3A_212 : i32 to index
        %swap3A_224 = arith.constant 64 : index
        %swap3A_225 = tpu.vector_load %arg12[%swap3A_223, %swap3A_224] {strides = array<i32>} : memref<128x128xf32, #tpu.memory_space<vmem>>, vector<16xf32>,
        tpu.vector_store %arg12[%swap3A_223, %swap3A_224], %mul3A_222 {strides = array<i32>} : memref<128x128xf32, #tpu.memory_space<vmem>>, vector<16xf32>,
        %get3A_226 = arith.index_cast %scan3A_212 : i32 to index
        %get3A_227 = arith.constant 16 : index
        %get3A_228 = tpu.vector_load %arg11[%get3A_226, %get3A_227] {strides = array<i32>} : memref<128x64xi32, #tpu.memory_space<vmem>>, vector<16xi32>,
        %bitcast3A_229 = vector.bitcast %get3A_228 : vector<16xi32> to vector<32xbf16>
        %unpack3A_230 = tpu.unpack_subelements %bitcast3A_229, 0 {pack_format = #tpu.pack_format<interleaved>} : vector<32xbf16> -> vector<16xf32>
        %unpack3A_231 = tpu.unpack_subelements %bitcast3A_229, 1 {pack_format = #tpu.pack_format<interleaved>} : vector<32xbf16> -> vector<16xf32>
        %mul3A_232 = arith.mulf %unpack3A_230, %gather3A : vector<16xf32>
        %swap3A_233 = arith.index_cast %scan3A_212 : i32 to index
        %swap3A_234 = arith.constant 16 : index
        %swap3A_235 = tpu.vector_load %arg12[%swap3A_233, %swap3A_234] {strides = array<i32>} : memref<128x128xf32, #tpu.memory_space<vmem>>, vector<16xf32>,
        tpu.vector_store %arg12[%swap3A_233, %swap3A_234], %mul3A_232 {strides = array<i32>} : memref<128x128xf32, #tpu.memory_space<vmem>>, vector<16xf32>,
        %mul3A_236 = arith.mulf %unpack3A_231, %gather3A : vector<16xf32>
        %swap3A_237 = arith.index_cast %scan3A_212 : i32 to index
        %swap3A_238 = arith.constant 80 : index
        %swap3A_239 = tpu.vector_load %arg12[%swap3A_237, %swap3A_238] {strides = array<i32>} : memref<128x128xf32, #tpu.memory_space<vmem>>, vector<16xf32>,
        tpu.vector_store %arg12[%swap3A_237, %swap3A_238], %mul3A_236 {strides = array<i32>} : memref<128x128xf32, #tpu.memory_space<vmem>>, vector<16xf32>,
        %get3A_240 = arith.index_cast %scan3A_212 : i32 to index
        %get3A_241 = arith.constant 32 : index
        %get3A_242 = tpu.vector_load %arg11[%get3A_240, %get3A_241] {strides = array<i32>} : memref<128x64xi32, #tpu.memory_space<vmem>>, vector<16xi32>,
        %bitcast3A_243 = vector.bitcast %get3A_242 : vector<16xi32> to vector<32xbf16>
        %unpack3A_244 = tpu.unpack_subelements %bitcast3A_243, 0 {pack_format = #tpu.pack_format<interleaved>} : vector<32xbf16> -> vector<16xf32>
        %unpack3A_245 = tpu.unpack_subelements %bitcast3A_243, 1 {pack_format = #tpu.pack_format<interleaved>} : vector<32xbf16> -> vector<16xf32>
        %mul3A_246 = arith.mulf %unpack3A_244, %gather3A : vector<16xf32>
        %swap3A_247 = arith.index_cast %scan3A_212 : i32 to index
        %swap3A_248 = arith.constant 32 : index
        %swap3A_249 = tpu.vector_load %arg12[%swap3A_247, %swap3A_248] {strides = array<i32>} : memref<128x128xf32, #tpu.memory_space<vmem>>, vector<16xf32>,
        tpu.vector_store %arg12[%swap3A_247, %swap3A_248], %mul3A_246 {strides = array<i32>} : memref<128x128xf32, #tpu.memory_space<vmem>>, vector<16xf32>,
        %mul3A_250 = arith.mulf %unpack3A_245, %gather3A : vector<16xf32>
        %swap3A_251 = arith.index_cast %scan3A_212 : i32 to index
        %swap3A_252 = arith.constant 96 : index
        %swap3A_253 = tpu.vector_load %arg12[%swap3A_251, %swap3A_252] {strides = array<i32>} : memref<128x128xf32, #tpu.memory_space<vmem>>, vector<16xf32>,
        tpu.vector_store %arg12[%swap3A_251, %swap3A_252], %mul3A_250 {strides = array<i32>} : memref<128x128xf32, #tpu.memory_space<vmem>>, vector<16xf32>,
        %get3A_254 = arith.index_cast %scan3A_212 : i32 to index
        %get3A_255 = arith.constant 48 : index
        %get3A_256 = tpu.vector_load %arg11[%get3A_254, %get3A_255] {strides = array<i32>} : memref<128x64xi32, #tpu.memory_space<vmem>>, vector<16xi32>,
        %bitcast3A_257 = vector.bitcast %get3A_256 : vector<16xi32> to vector<32xbf16>
        %unpack3A_258 = tpu.unpack_subelements %bitcast3A_257, 0 {pack_format = #tpu.pack_format<interleaved>} : vector<32xbf16> -> vector<16xf32>
        %unpack3A_259 = tpu.unpack_subelements %bitcast3A_257, 1 {pack_format = #tpu.pack_format<interleaved>} : vector<32xbf16> -> vector<16xf32>
        %mul3A_260 = arith.mulf %unpack3A_258, %gather3A : vector<16xf32>
        %swap3A_261 = arith.index_cast %scan3A_212 : i32 to index
        %swap3A_262 = arith.constant 48 : index
        %swap3A_263 = tpu.vector_load %arg12[%swap3A_261, %swap3A_262] {strides = array<i32>} : memref<128x128xf32, #tpu.memory_space<vmem>>, vector<16xf32>,
        tpu.vector_store %arg12[%swap3A_261, %swap3A_262], %mul3A_260 {strides = array<i32>} : memref<128x128xf32, #tpu.memory_space<vmem>>, vector<16xf32>,
        %mul3A_264 = arith.mulf %unpack3A_259, %gather3A : vector<16xf32>
        %swap3A_265 = arith.index_cast %scan3A_212 : i32 to index
        %swap3A_266 = arith.constant 112 : index
        %swap3A_267 = tpu.vector_load %arg12[%swap3A_265, %swap3A_266] {strides = array<i32>} : memref<128x128xf32, #tpu.memory_space<vmem>>, vector<16xf32>,
        tpu.vector_store %arg12[%swap3A_265, %swap3A_266], %mul3A_264 {strides = array<i32>} : memref<128x128xf32, #tpu.memory_space<vmem>>, vector<16xf32>,
        %scan3A_268 = arith.constant 0 : i32
        scf.yield %scan3A_268 : i32
      }
      %scan3A_206 = arith.constant 128 : i32
      %mul3A_207 = arith.constant 8 : i32
      %mul3A_208 = arith.muli %scan3A_40, %mul3A_207 : i32
      %add3A_209 = arith.constant 7 : i32
      %add3A_210 = arith.addi %mul3A_208, %add3A_209 : i32
      "tpu.region"() ({
        %run_scoped3A = tpu.sem_alloc : memref<!tpu.dma_semaphore, #tpu.memory_space<semaphore_mem>>
        %dma_start3A_212 = arith.constant 0 : i32
        %dma_start3A_213 = tpu.memref_slice %arg9[%add3A_210, %dma_start3A_212] : memref<80x128xi32, #tpu.memory_space<vmem>> -> memref<1x128xi32, #tpu.memory_space<vmem>>
        %dma_start3A_214 = tpu.memref_squeeze %dma_start3A_213 : memref<1x128xi32, #tpu.memory_space<vmem>> -> memref<128xi32, #tpu.memory_space<vmem>>
        %dma_start3A_215 = arith.constant 0 : i32
        %dma_start3A_216 = arith.constant 0 : i32
        %dma_start3A_217 = tpu.memref_slice %arg13[%dma_start3A_215, %dma_start3A_216] : memref<10240x128xf32, #tpu.memory_space<vmem_shared>> -> memref<10240x128xf32, #tpu.memory_space<vmem_shared>>
        tpu.enqueue_indirect_dma source(%arg12 : memref<128x128xf32, #tpu.memory_space<vmem>>) target(%dma_start3A_217 : memref<10240x128xf32, #tpu.memory_space<vmem_shared>>) offsets(%dma_start3A_214 : memref<128xi32, #tpu.memory_space<vmem>>) semaphore(%run_scoped3A : memref<!tpu.dma_semaphore, #tpu.memory_space<semaphore_mem>>) {add = true}
        %dma_wait3A_218 = arith.constant 0 : i32
        %dma_wait3A_219 = tpu.memref_slice %arg9[%add3A_210, %dma_wait3A_218] : memref<80x128xi32, #tpu.memory_space<vmem>> -> memref<1x128xi32, #tpu.memory_space<vmem>>
        %dma_wait3A_220 = tpu.memref_squeeze %dma_wait3A_219 : memref<1x128xi32, #tpu.memory_space<vmem>> -> memref<128xi32, #tpu.memory_space<vmem>>
        %dma_wait3A_221 = arith.constant 0 : i32
        %dma_wait3A_222 = arith.constant 0 : i32
        %dma_wait3A_223 = tpu.memref_slice %arg13[%dma_wait3A_221, %dma_wait3A_222] : memref<10240x128xf32, #tpu.memory_space<vmem_shared>> -> memref<10240x128xf32, #tpu.memory_space<vmem_shared>>
        tpu.wait_indirect_dma semaphore(%run_scoped3A : memref<!tpu.dma_semaphore, #tpu.memory_space<semaphore_mem>>) src(%arg12 : memref<128x128xf32, #tpu.memory_space<vmem>>) dst(%dma_wait3A_223 : memref<10240x128xf32, #tpu.memory_space<vmem_shared>>)
        tpu.yield
      }) : () -> ()
      %scan3A_211 = arith.constant 0 : i32
      scf.yield %scan3A_211 : i32
    }
    %scan3A_31 = arith.constant 10 : i32
    %barrier3A_32 = arith.constant 0 : index
    tpu.barrier barrier_id(%barrier3A_32)
    %eq3A = arith.constant 0 : i32
    %eq3A_33 = arith.cmpi eq, %arg0, %eq3A : i32
    %convert_element_type3A = arith.extui %eq3A_33 : i1 to i32
    %cond3A = arith.constant 0 : i32
    %cond3A_34 = arith.cmpi ne, %convert_element_type3A, %cond3A : i32
    scf.if %cond3A_34 {
      %run_scoped3A = arith.constant 0 : i32
      "tpu.region"() ({
        %run_scoped3A_40 = tpu.sem_alloc : memref<!tpu.dma_semaphore, #tpu.memory_space<semaphore_mem>>
        %dma_start3A = arith.constant 0 : i32
        %dma_start3A_41 = tpu.memref_slice %arg6[%run_scoped3A, %multiple_of3A_11, %dma_start3A] : memref<2x10240x128xf32, #tpu.memory_space<hbm>> -> memref<1x640x128xf32, #tpu.memory_space<hbm>>
        %dma_start3A_42 = tpu.memref_squeeze %dma_start3A_41 : memref<1x640x128xf32, #tpu.memory_space<hbm>> -> memref<640x128xf32, #tpu.memory_space<hbm>>
        %dma_start3A_43 = arith.constant 0 : i32
        %dma_start3A_44 = tpu.memref_slice %arg13[%multiple_of3A_11, %dma_start3A_43] : memref<10240x128xf32, #tpu.memory_space<vmem_shared>> -> memref<640x128xf32, #tpu.memory_space<vmem_shared>>
        tpu.enqueue_dma source(%dma_start3A_44 : memref<640x128xf32, #tpu.memory_space<vmem_shared>>) target(%dma_start3A_42 : memref<640x128xf32, #tpu.memory_space<hbm>>) target_semaphore(%run_scoped3A_40 : memref<!tpu.dma_semaphore, #tpu.memory_space<semaphore_mem>>)
        %dma_wait3A = arith.constant 0 : i32
        %dma_wait3A_45 = tpu.memref_slice %arg6[%run_scoped3A, %multiple_of3A_11, %dma_wait3A] : memref<2x10240x128xf32, #tpu.memory_space<hbm>> -> memref<1x640x128xf32, #tpu.memory_space<hbm>>
        %dma_wait3A_46 = tpu.memref_squeeze %dma_wait3A_45 : memref<1x640x128xf32, #tpu.memory_space<hbm>> -> memref<640x128xf32, #tpu.memory_space<hbm>>
        %dma_wait3A_47 = arith.constant 0 : i32
        %dma_wait3A_48 = tpu.memref_slice %arg13[%multiple_of3A_11, %dma_wait3A_47] : memref<10240x128xf32, #tpu.memory_space<vmem_shared>> -> memref<640x128xf32, #tpu.memory_space<vmem_shared>>
        tpu.wait_dma2 semaphore(%run_scoped3A_40 : memref<!tpu.dma_semaphore, #tpu.memory_space<semaphore_mem>>) src(%dma_wait3A_48 : memref<640x128xf32, #tpu.memory_space<vmem_shared>>) dst(%dma_wait3A_46 : memref<640x128xf32, #tpu.memory_space<hbm>>)
        tpu.yield
      }) : () -> ()
    } else {
    }
    %eq3A_35 = arith.constant 1 : i32
    %eq3A_36 = arith.cmpi eq, %arg0, %eq3A_35 : i32
    %convert_element_type3A_37 = arith.extui %eq3A_36 : i1 to i32
    %cond3A_38 = arith.constant 0 : i32
    %cond3A_39 = arith.cmpi ne, %convert_element_type3A_37, %cond3A_38 : i32
    scf.if %cond3A_39 {
      %run_scoped3A = arith.constant 1 : i32
      "tpu.region"() ({
        %run_scoped3A_40 = tpu.sem_alloc : memref<!tpu.dma_semaphore, #tpu.memory_space<semaphore_mem>>
        %dma_start3A = arith.constant 0 : i32
        %dma_start3A_41 = tpu.memref_slice %arg6[%run_scoped3A, %multiple_of3A_11, %dma_start3A] : memref<2x10240x128xf32, #tpu.memory_space<hbm>> -> memref<1x640x128xf32, #tpu.memory_space<hbm>>
        %dma_start3A_42 = tpu.memref_squeeze %dma_start3A_41 : memref<1x640x128xf32, #tpu.memory_space<hbm>> -> memref<640x128xf32, #tpu.memory_space<hbm>>
        %dma_start3A_43 = arith.constant 0 : i32
        %dma_start3A_44 = tpu.memref_slice %arg13[%multiple_of3A_11, %dma_start3A_43] : memref<10240x128xf32, #tpu.memory_space<vmem_shared>> -> memref<640x128xf32, #tpu.memory_space<vmem_shared>>
        tpu.enqueue_dma source(%dma_start3A_44 : memref<640x128xf32, #tpu.memory_space<vmem_shared>>) target(%dma_start3A_42 : memref<640x128xf32, #tpu.memory_space<hbm>>) target_semaphore(%run_scoped3A_40 : memref<!tpu.dma_semaphore, #tpu.memory_space<semaphore_mem>>)
        %dma_wait3A = arith.constant 0 : i32
        %dma_wait3A_45 = tpu.memref_slice %arg6[%run_scoped3A, %multiple_of3A_11, %dma_wait3A] : memref<2x10240x128xf32, #tpu.memory_space<hbm>> -> memref<1x640x128xf32, #tpu.memory_space<hbm>>
        %dma_wait3A_46 = tpu.memref_squeeze %dma_wait3A_45 : memref<1x640x128xf32, #tpu.memory_space<hbm>> -> memref<640x128xf32, #tpu.memory_space<hbm>>
        %dma_wait3A_47 = arith.constant 0 : i32
        %dma_wait3A_48 = tpu.memref_slice %arg13[%multiple_of3A_11, %dma_wait3A_47] : memref<10240x128xf32, #tpu.memory_space<vmem_shared>> -> memref<640x128xf32, #tpu.memory_space<vmem_shared>>
        tpu.wait_dma2 semaphore(%run_scoped3A_40 : memref<!tpu.dma_semaphore, #tpu.memory_space<semaphore_mem>>) src(%dma_wait3A_48 : memref<640x128xf32, #tpu.memory_space<vmem_shared>>) dst(%dma_wait3A_46 : memref<640x128xf32, #tpu.memory_space<hbm>>)
        tpu.yield
      }) : () -> ()
    } else {
    }
    return
  }
}

module attributes {stable_mosaic.version = 14 : i64} {
  func.func @body(%arg0: i32, %arg1: memref<2x1000x128xf32, #tpu.memory_space<vmem>>, %arg2: memref<128x128xf32, #tpu.memory_space<vmem>>, %arg3: memref<1x128xf32, #tpu.memory_space<vmem>>, %arg4: memref<1000x128xf32, #tpu.memory_space<vmem>>) attributes {dimension_semantics = [#tpu.dimension_semantics<arbitrary>], iteration_bounds = array<i64: 10>, scalar_prefetch = 0 : i64, scratch_operands = 0 : i64, tpu.core_type = #tpu.core_type<tc>, window_params = [{transform_indices = @transform_0, window_bounds = array<i64: 2, 1000, 128>}, {pipeline_mode = #tpu.pipeline_mode<synchronous>, transform_indices = @transform_1, window_bounds = array<i64: 128, 128>}, {pipeline_mode = #tpu.pipeline_mode<synchronous>, transform_indices = @transform_2, window_bounds = array<i64: 1, 128>}, {transform_indices = @transform_3, window_bounds = array<i64: 1000, 128>}]} {
    %get3A = arith.constant 0 : index
    %get3A_0 = arith.constant 0 : index
    %get3A_1 = arith.constant 0 : index
    %get3A_2 = vector.load %arg1[%get3A, %get3A_0, %get3A_1] : memref<2x1000x128xf32, #tpu.memory_space<vmem>>, vector<1x1000x128xf32>
    %get3A_3 = vector.shape_cast %get3A_2 : vector<1x1000x128xf32> to vector<1000x128xf32>
    %get3A_4 = arith.constant 1 : index
    %get3A_5 = arith.constant 0 : index
    %get3A_6 = arith.constant 0 : index
    %get3A_7 = vector.load %arg1[%get3A_4, %get3A_5, %get3A_6] : memref<2x1000x128xf32, #tpu.memory_space<vmem>>, vector<1x1000x128xf32>
    %get3A_8 = vector.shape_cast %get3A_7 : vector<1x1000x128xf32> to vector<1000x128xf32>
    %add3A = arith.addf %get3A_3, %get3A_8 : vector<1000x128xf32>
    %get3A_9 = arith.constant 0 : index
    %get3A_10 = arith.constant 0 : index
    %get3A_11 = vector.load %arg2[%get3A_9, %get3A_10] : memref<128x128xf32, #tpu.memory_space<vmem>>, vector<128x128xf32>
    %dot_general3A = arith.constant dense<0.000000e+00> : vector<1000x128xf32>
    %dot_general3A_12 = tpu.matmul %add3A, %get3A_11, %dot_general3A {dimension_numbers = #tpu.dot_dimension_numbers<[1], [1], [0], [0], [0, 0, 1, 0], [], []>, transpose_lhs_hint = false} : vector<1000x128xf32>, vector<128x128xf32>, vector<1000x128xf32> -> vector<1000x128xf32>
    %get3A_13 = arith.constant 0 : index
    %get3A_14 = arith.constant 0 : index
    %get3A_15 = vector.load %arg3[%get3A_13, %get3A_14] : memref<1x128xf32, #tpu.memory_space<vmem>>, vector<1x128xf32>
    %add3A_16 = vector.broadcast %get3A_15 : vector<1x128xf32> to vector<1000x128xf32>
    %add3A_17 = arith.addf %dot_general3A_12, %add3A_16 : vector<1000x128xf32>
    %swap3A = arith.constant 0 : index
    %swap3A_18 = arith.constant 0 : index
    %swap3A_19 = vector.load %arg4[%swap3A, %swap3A_18] : memref<1000x128xf32, #tpu.memory_space<vmem>>, vector<1000x128xf32>
    tpu.vector_store %arg4[%swap3A, %swap3A_18], %add3A_17 {strides = array<i32>} : memref<1000x128xf32, #tpu.memory_space<vmem>>, vector<1000x128xf32>,
    return
  }
  func.func @transform_0(%arg0: i32) -> (i32, i32, i32) {
    %c0_i32 = arith.constant 0 : i32
    %c0_i32_0 = arith.constant 0 : i32
    %c0_i32_1 = arith.constant 0 : i32
    return %c0_i32, %arg0, %c0_i32_0 : i32, i32, i32
  }
  func.func @transform_1(%arg0: i32) -> (i32, i32) {
    %c0_i32 = arith.constant 0 : i32
    %c0_i32_0 = arith.constant 0 : i32
    %c0_i32_1 = arith.constant 0 : i32
    return %c0_i32, %c0_i32_0 : i32, i32
  }
  func.func @transform_2(%arg0: i32) -> (i32, i32) {
    %c0_i32 = arith.constant 0 : i32
    %c0_i32_0 = arith.constant 0 : i32
    %c0_i32_1 = arith.constant 0 : i32
    return %c0_i32, %c0_i32_0 : i32, i32
  }
  func.func @transform_3(%arg0: i32) -> (i32, i32) {
    %c0_i32 = arith.constant 0 : i32
    %c0_i32_0 = arith.constant 0 : i32
    return %arg0, %c0_i32 : i32, i32
  }
}

</mosaic_0001>

<sc_bundles>
// kernel: kernel.4.cloned.1.call-start
scs
__scs_entry_jumppad:
0x0: {  	(pc) =	sbr.rel $0x88, $3  }
0x1: {  	(tag) =	ssettag $0x0;
	lr =	simm.s32 $0x1  }
0x2: {  	[smem:$0x3F9C] =	sst lr;
	_ =	strace $0xD0000000  }
0x3: {  	_ = 	snop  }
0x4: {  	_ = 	snop  }
0x5: {  	_ = 	snop  }
0x6: {  	_ = 	snop  }
0x7: {  	_ = 	snop  }
__scs_overlays_trampoline_lowered:
0x8: {  	[smem:$0x3FAB] =	sst s0  }
0x9: {  	[smem:$0x3FAC] =	sst s1  }
0xa: {  	[smem:$0x3FAD] =	sst s2  }
0xb: {  	[smem:$0x3FAE] =	sst s3  }
0xc: {  	[smem:$0x3FAF] =	sst s4  }
0xd: {  	[smem:$0x3FB0] =	sst s5  }
0xe: {  	[smem:$0x3FB1] =	sst s6  }
0xf: {  	[smem:$0x3FB2] =	sst s7  }
0x10: {  	[smem:$0x3FB3] =	sst s8  }
0x11: {  	[smem:$0x3FB4] =	sst s9;
	s0 =	simm.s32 @!p0 $0x0  }
0x12: {  	s1 =	sld [smem:$0x3F9A];
	s0 =	simm.s32 @p0 $0x1  }
0x13: {  	[smem:$0x3FB5] =	sst s0;
	s0 =	simm.s32 @!p1 $0x0  }
0x14: {  	s2 =	sld [smem:$0x3F99];
	s0 =	simm.s32 @p1 $0x1  }
0x15: {  	[smem:$0x3FB6] =	sst s0;
	s0 =	simm.s32 @!p2 $0x0  }
0x16: {  	s3 =	sld [smem:$0x3FDB];
	s0 =	simm.s32 @p2 $0x1  }
0x17: {  	s4 =	simm.s32 $0x1BF5;
	[smem:$0x3FB8] =	sst s0  }
0x18: {  	s0 =	sld [smem:$0x3F9B];
	_ =	swait.ge [sflag:s4], $0x0  }
0x19: {  	s7 =	sld [smem:$0x3F9C]  }
0x1a: {  	s8 =	sadd.s32 $0xFFFFE003, lr  }
0x1b: {  	s9 =	sadd.s32 $0xFFFFFEF7, lr;
	s5 =	simm.s32 $0xFFFFFFFF;
	p2 =	slt.u32 s8, $0xFFFFF086  }
0x1c: {  	p1 =	slt.u32 s9, $0xF7A;
	s5 =	simm.s32 @!p2 $0x0  }
0x1d: {  	s5 =	simm.s32 @p1 $0x1;
	p0 =	seq.s32 s7, s2  }
0x1e: {  	s7 =	smul.u32 @!p0 $0xF7A, s2;
	p2 =	seq.s32 @!p0 s5, $0x0  }
0x1f: {  	s9 =	smul.u32 $0xF7A, s1;
	s8 =	simm.s32 @!p0 $0x1BF5;
	p2 =	por !p2, p0  }
0x20: {  	[sflag:s8] =	ssyncset.s32 @!p0 $0xFFFFF086;
	s6 =	sadd.s32 @!p0 s3, s7;
	s7 =	simm.s32 @!p0 $0x108  }
0x21: {  	s3 =	sadd.s32 s3, s9;
	s6 =	sadd.s32 @!p0 $0x88, s6;
	s7 =	simm.s32 @p2 $0x1082  }
0x22: {  	[simem:s7], [sflag:s8] =	dma.local @!p0 [hbm:s6], $0xF7A  }
0x23: {  	s9 =	sor.u32 $0xD0000000, s2;
	s6 =	simm.s32 $0x108;
	_ =	swait.ge @!p0 [sflag:s8], $0x0  }
0x24: {  	s3 =	sadd.s32 $0x88, s3;
	s6 =	simm.s32 @!p1 $0x1082;
	[sflag:s4] =	ssyncset.s32 $0xFFFFF086  }
0x25: {  	[simem:s6], [sflag:s4] =	dma.local [hbm:s3], $0xF7A  }
0x26: {  	[smem:$0x3F9C] =	sst s1;
	(tag) =	ssettag s2;
	_ =	strace s9  }
0x27: {  	s1 =	sld [smem:$0x3FAC]  }
0x28: {  	s2 =	sld [smem:$0x3FAD]  }
0x29: {  	s4 =	sld [smem:$0x3FAF]  }
0x2a: {  	p0 =	seq.s32 s5, $0x0;
	s5 =	sld [smem:$0x3FB0]  }
0x2b: {  	s6 =	sld [smem:$0x3FB1]  }
0x2c: {  	s7 =	sld [smem:$0x3FB2]  }
0x2d: {  	s3 =	simm.s32 $0x108;
	s8 =	sld [smem:$0x3FB3]  }
0x2e: {  	s3 =	simm.s32 @!p0 $0x1082;
	s9 =	sld [smem:$0x3FB4]  }
0x2f: {  	lr =	sadd.s32 s0, s3;
	s0 =	sld [smem:$0x3FAB]  }
0x30: {  	s3 =	sld [smem:$0x3FAE]  }
0x31: {  	[smem:$0x3FB7] =	sst s10  }
0x32: {  	s10 =	sld [smem:$0x3FB5];
	_ =	sdelay $0x3  }
0x33: {  	p0 =	seq.s32 s10, $0x1;
	s10 =	sld [smem:$0x3FB7];
	_ =	sdelay $0x3  }
0x34: {  	[smem:$0x3FB7] =	sst s10  }
0x35: {  	s10 =	sld [smem:$0x3FB6];
	_ =	sdelay $0x3  }
0x36: {  	p1 =	seq.s32 s10, $0x1;
	s10 =	sld [smem:$0x3FB7];
	_ =	sdelay $0x3  }
0x37: {  	[smem:$0x3FB7] =	sst s10  }
0x38: {  	s10 =	sld [smem:$0x3FB8]  }
0x39: {  	_ = 	snop;
	(pc) =	sbr.ind lr, $3  }
0x3a: {  	_ = 	snop  }
0x3b: {  	_ = 	snop  }
0x3c: {  	p2 =	seq.s32 s10, $0x1;
	s10 =	sld [smem:$0x3FB7]  }
0x3d: {  	_ =	shalt  }
0x3e: {  	_ =	shalt  }
0x3f: {  	_ =	shalt  }
0x40: {  	_ =	shalt  }
0x41: {  	_ =	shalt  }
0x42: {  	_ =	shalt  }
0x43: {  	_ =	shalt  }
0x44: {  	_ =	shalt  }
0x45: {  	_ =	shalt  }
0x46: {  	_ =	shalt  }
0x47: {  	_ =	shalt  }
0x48: {  	_ =	shalt  }
0x49: {  	_ =	shalt  }
0x4a: {  	_ =	shalt  }
0x4b: {  	_ =	shalt  }
0x4c: {  	_ =	shalt  }
0x4d: {  	_ =	shalt  }
0x4e: {  	_ =	shalt  }
0x4f: {  	_ =	shalt  }
0x50: {  	_ =	shalt  }
0x51: {  	_ =	shalt  }
0x52: {  	_ =	shalt  }
0x53: {  	_ =	shalt  }
0x54: {  	_ =	shalt  }
0x55: {  	_ =	shalt  }
0x56: {  	_ =	shalt  }
0x57: {  	_ =	shalt  }
0x58: {  	_ =	shalt  }
0x59: {  	_ =	shalt  }
0x5a: {  	_ =	shalt  }
0x5b: {  	_ =	shalt  }
0x5c: {  	_ =	shalt  }
0x5d: {  	_ =	shalt  }
0x5e: {  	_ =	shalt  }
0x5f: {  	_ =	shalt  }
0x60: {  	_ =	shalt  }
0x61: {  	_ =	shalt  }
0x62: {  	_ =	shalt  }
0x63: {  	_ =	shalt  }
0x64: {  	_ =	shalt  }
0x65: {  	_ =	shalt  }
0x66: {  	_ =	shalt  }
0x67: {  	_ =	shalt  }
0x68: {  	_ =	shalt  }
0x69: {  	_ =	shalt  }
0x6a: {  	_ =	shalt  }
0x6b: {  	_ =	shalt  }
0x6c: {  	_ =	shalt  }
0x6d: {  	_ =	shalt  }
0x6e: {  	_ =	shalt  }
0x6f: {  	_ =	shalt  }
0x70: {  	_ =	shalt  }
0x71: {  	_ =	shalt  }
0x72: {  	_ =	shalt  }
0x73: {  	_ =	shalt  }
0x74: {  	_ =	shalt  }
0x75: {  	_ =	shalt  }
0x76: {  	_ =	shalt  }
0x77: {  	_ =	shalt  }
0x78: {  	_ =	shalt  }
0x79: {  	_ =	shalt  }
0x7a: {  	_ =	shalt  }
0x7b: {  	_ =	shalt  }
0x7c: {  	_ =	shalt  }
0x7d: {  	_ =	shalt  }
0x7e: {  	_ =	shalt  }
0x7f: {  	_ =	shalt  }
0x80: {  	_ =	shalt  }
0x81: {  	_ =	shalt  }
0x82: {  	_ =	shalt  }
0x83: {  	_ =	shalt  }
0x84: {  	_ =	shalt  }
0x85: {  	_ =	shalt  }
0x86: {  	_ =	shalt  }
0x87: {  	_ =	shalt  }
.Lfunc_end0:
.L_simem_size_0:
called_computation_lowered:
.L_overlay_start_0:
0x88: {  	s2 =	sld [smem:$0x3FD9]  }
0x89: {  	s3 =	sld [smem:$0x3FFE];
	_ =	sdelay $0x1  }
0x8a: {  	s1 =	srdreg.scid  }
0x8b: {  	s0 =	sand.u32 $0x1, s1  }
0x8c: {  	s17 =	sshll.u32 s0, $0xA;
	s2 =	sadd.s32 s3, s2  }
0x8d: {  	s2 =	sadd.s32 s2, s17  }
0x8e: {  	[smem:$0x3FC3] =	sst s2  }
0x8f: {  	_ = 	snop  }
0x90: {  	s2 =	sld [smem:$0x3FD0];
	(tm) =	ssettm $0x1  }
0x91: {  	s18 =	sld [smem:$0x3FFB];
	_ =	sdelay $0x3  }
0x92: {  	_ =	strace s18  }
0x93: {  	s3 =	sld [smem:$0x3FFC];
	_ =	sdelay $0x3  }
0x94: {  	_ =	strace s3  }
0x95: {  	s3 =	sld [smem:$0x3FFD];
	_ =	sdelay $0x3  }
0x96: {  	_ =	strace s3  }
0x97: {  	_ =	strace $0x8FFFFFFF  }
0x98: {  	s19 =	sld [smem:$0x3FDB];
	_ =	sdelay $0x1  }
0x99: {  	s4 =	simm.s32 $_scs_section_size  }
0x9a: {  	s5 =	simm.s32 $_size__tile_overlayer_lowered;
	s6 =	simm.s32 $_tile_overlayer_lowered  }
0x9b: {  	s22 =	simm.s32 $0x1BFF;
	s21 =	sshll.u32 s6, $0x1;
	s3 =	sadd.s32 s4, s19  }
0x9c: {  	s7 =	simm.s32 $0x0;
	s20 =	sshll.u32 s5, $0x1;
	s5 =	sadd.s32 s21, s3  }
0x9d: {  	[timem:s7], [sflag:s22] =	dma.local [hbm:s5], s20  }
0x9e: {  	_ =	swait.ge [sflag:s22], s20  }
0x9f: {  	s4 =	ssub.s32 $0x0, s20;
	[sflag:s22] =	ssyncset.done $0x0  }
0xa0: {  	[sflag:s22] =	ssyncadd.s32 s4;
	_ =	sdelay $0x1  }
0xa1: {  	s23 =	simm.s32 $0x1B8B  }
0xa2: {  	_ =	swait.ge [sflag:s23], $0x1  }
0xa3: {  	[sflag:s23] =	ssyncset.done $0x0  }
0xa4: {  	s25 =	simm.s32 $0x1B8E;
	s24 =	sld [smem:$0x3FFE];
	[sflag:s23] =	ssyncadd.s32 $0xFFFFFFFF  }
0xa5: {  	s26 =	simm.s32 $execute0_lowered;
	[smem:$0x3FD2] =	sst s25  }
0xa6: {  	s5 =	sshll.u32 s26, $0x1;
	_ =	strace $0x80000046;
	[dreg:$0x1] =	wrdreg $0xFFFFFFFF  }
0xa7: {  	s28 =	simm.s32 $_size_execute0_lowered;
	s3 =	sadd.s32 s3, s5;
	[dreg:$0x0] =	wrdreg $0x0  }
0xa8: {  	s5 =	sshll.u32 s28, $0x1;
	[dreg:$0x2] =	wrdreg s3  }
0xa9: {  	[dreg:$0x3] =	wrdreg s5  }
0xaa: {  	[dreg:$0x4] =	wrdreg $0xC0  }
0xab: {  	_ =	task [dreg:s7], $0x5FFFF  }
0xac: {  	[dreg:$0x1] =	wrdreg $0xFFFFFFFF  }
0xad: {  	[dreg:$0x0] =	wrdreg $0x60  }
0xae: {  	[dreg:$0x2] =	wrdreg s2  }
0xaf: {  	[dreg:$0x3] =	wrdreg s24  }
0xb0: {  	[dreg:$0x4] =	wrdreg $0xB0000  }
0xb1: {  	[dreg:$0x5] =	wrdreg $0x9  }
0xb2: {  	_ =	task.clear_ibuf [dreg:s7], $0x6FFFF;
	_ =	strace $0x90000046  }
0xb3: {  	s29 =	simm.s32 $0x9;
	_ =	strace $0x80000048  }
0xb4: {  	_ =	swait.ge [sflag:s29], $0x1  }
0xb5: {  	[sflag:s29] =	ssyncadd.s32 $0xFFFFFFFF  }
0xb6: {  	_ =	strace $0x90000048  }
0xb7: {  	_ =	sfence  }
0xb8: {  	s30 =	sld [smem:$0x0];
	_ =	sdelay $0x2  }
0xb9: {  	s31 =	sshll.u32 s1, $0xD;
	s1 =	sshrl.u32 s1, $0x2  }
0xba: {  	s3 =	sand.u32 $0x4000, s31;
	s1 =	sadd.s32 s1, s30  }
0xbb: {  	s0 =	sor.u32 s3, s0;
	s1 =	sshll.u32 s1, $0x11  }
0xbc: {  	s0 =	sor.u32 s1, s0  }
0xbd: {  	s0 =	sadd.s32 $0x8F2B, s0  }
0xbe: {  	[sflag:s0] =	ssyncadd.remote.s32 $0x1  }
0xbf: {  	_ =	sfence.sel $0xFFFF  }
0xc0: {  	[dreg:$0x0] =	wrdreg $0xFFFFFFFF;
	(pc) =	sbr.abs _section_cstart, $3  }
0xc1: {  	[dreg:$0x1] =	wrdreg $0xFFFFFFFF  }
0xc2: {  	_ =	task.clear_ibuf [dreg:s7], $0x2FFFF;
	_ =	strace $0x9FFFFFFF  }
0xc3: {  	(tm) =	ssettm $0x7FFFFFFF  }
tec
execute0_lowered:
.L_overlay_start_1:
0x0: {  	(tag) =	ssettag $0x1  }
0x1: {  	s1 =	rddreg [dreg:$0x0]  }
0x2: {  	s0 =	rddreg [dreg:$0x1]  }
0x3: {  	s2 =	rddreg [dreg:$0x2];
	s3 =	srdreg.scid;
	s4 =	simm.s32 $0x0  }
0x4: {  	s12 =	stileid.u32;
	s16 =	simm.s32 $0x7000;
	s17 =	simm.s32 $0x2  }
0x5: {  	s19 =	simm.s32 $0x400;
	s20 =	simm.s32 $0x80;
	s21 =	simm.s32 $0x3000  }
0x6: {  	s28 =	simm.s32 $0x280;
	s29 =	simm.s32 $0x300;
	s30 =	simm.s32 $0x380  }
0x7: {  	s31 =	simm.s32 $0x0;
	s3 =	sand.u32 $0x1, s3;
	s9 =	smul.u32 $0x14000, s12  }
0x8: {  	[smem:$0x7FF] =	sst s4;
	s22 =	smul.u32 $0x50000, s12;
	s5 =	sshll.u32 s3, $0x4  }
0x9: {  	_ =	strace $0x80000047;
	p0 =	seq.s32 s3, $0x1;
	s3 =	ssub.s32 $0x2, s3  }
0xa: {  	s8 =	sor.u32 s12, s5;
	s5 =	sadd.s32 $0xA200, s0;
	s10 =	sadd.s32 $0x140000, s9  }
0xb: {  	s6 =	sadd.s32 s9, s2;
	s23 =	sshrl.u32 s3, $0x1;
	s7 =	smul.u32 $0x500, s8  }
0xc: {  	s9 =	smov.u32 @p0 s10;
	s10 =	sshrl.u32 s22, $0x2;
	s3 =	ssub.s32 s3, s23  }
0xd: {  	s8 =	smul.u32 $0x2800, s8;
	s22 =	simm.s32 $0x1;
	s23 =	simm.s32 $0x5000  }
0xe: {  	s9 =	sshrl.u32 s9, $0x3;
	s24 =	sadd.s32 s10, s2;
	s14 =	smax.u32 s3, $0x1  }
0xf: {  	s11 =	sadd.s32 s7, s0;
	s7 =	sadd.s32 $0x14200, s0;
	s10 =	sadd.s32 $0x4000, s24  }
0x10: {  	s0 =	sadd.s32 s9, s0;
	s25 =	sadd.s32 $0x8000, s24;
	[dreg:$0x4] =	wrdreg s10  }
0x11: {  	s26 =	sadd.s32 $0xC000, s24;
	s12 =	sadd.s32 $0x10000, s24;
	[dreg:$0x5] =	wrdreg s25  }
0x12: {  	s24 =	simm.s32 $0x100;
	[dreg:$0x6] =	wrdreg s26;
	s13 =	sadd.s32 $0x200, s11  }
0x13: {  	v0 =	vimm.f32 $0.0e+00;
	s15 =	sadd.s32 $0x1E200, s0;
	s25 =	simm.s32 $0x180;
	s26 =	simm.s32 $0x200  }
.LBB2_1:
0x14: {  	s0 =	simm.s32 $0x0;
	s3 =	simm.s32 $0x200  }
.LBB2_2:
0x15: {  	p0 =	sne.s32 s3, $0xFE00;
	[tilespmem:s0+$0x7070] =	vst v0  }
0x16: {  	[tilespmem:s0+$0x7000] =	vst v0  }
0x17: {  	[tilespmem:s0+$0x7010] =	vst v0  }
.Ltmp0:
0x18: {  	[tilespmem:s0+$0x7020] =	vst v0;
	(pc) =	sbr.rel @p0 .LBB2_2-.Ltmp0, $4  }
0x19: {  	[tilespmem:s0+$0x7030] =	vst v0  }
0x1a: {  	[tilespmem:s0+$0x7040] =	vst v0  }
0x1b: {  	[tilespmem:s0+$0x7050] =	vst v0  }
0x1c: {  	[tilespmem:s0+$0x7060] =	vst v0;
	s0 =	sshra.s32 s3, $0x2;
	s3 =	sadd.s32 $0x200, s3  }
0x1d: {  	[tilespmem:s0+$0x7070] =	vst v0  }
0x1e: {  	[tilespmem:s0+$0x7000] =	vst v0  }
0x1f: {  	[tilespmem:s0+$0x7010] =	vst v0  }
0x20: {  	[tilespmem:s0+$0x7020] =	vst v0  }
0x21: {  	[tilespmem:s0+$0x7030] =	vst v0  }
0x22: {  	[tilespmem:s0+$0x7040] =	vst v0  }
0x23: {  	[tilespmem:s0+$0x7050] =	vst v0  }
0x24: {  	[tilespmem:s0+$0x7060] =	vst v0  }
0x25: {  	[spmem:s6] =	stream.linear.scatter [tilespmem:s16], [sflag:$0x2], $0x4000, $0x38;
	[tilespmem:$0x1F000] =	vst v63  }
0x26: {  	_ =	swait.ge [sflag:s17], $0x4000  }
0x27: {  	[sflag:s17] =	ssyncset.done $0x0  }
0x28: {  	s9 =	rddreg [dreg:$0x4];
	[sflag:s17] =	ssyncadd.s32 $0xFFFFC000  }
0x29: {  	[spmem:s9] =	stream.linear.scatter [tilespmem:s16], [sflag:$0x2], $0x4000, $0x38;
	[tilespmem:$0x1F000] =	vst v63  }
0x2a: {  	_ =	swait.ge [sflag:s17], $0x4000  }
0x2b: {  	[sflag:s17] =	ssyncset.done $0x0  }
0x2c: {  	s10 =	rddreg [dreg:$0x5];
	[sflag:s17] =	ssyncadd.s32 $0xFFFFC000  }
0x2d: {  	[spmem:s10] =	stream.linear.scatter [tilespmem:s16], [sflag:$0x2], $0x4000, $0x38;
	[tilespmem:$0x1F000] =	vst v63  }
0x2e: {  	_ =	swait.ge [sflag:s17], $0x4000  }
0x2f: {  	[sflag:s17] =	ssyncset.done $0x0  }
0x30: {  	s11 =	rddreg [dreg:$0x6];
	[sflag:s17] =	ssyncadd.s32 $0xFFFFC000  }
0x31: {  	[spmem:s11] =	stream.linear.scatter [tilespmem:s16], [sflag:$0x2], $0x4000, $0x38;
	[tilespmem:$0x1F000] =	vst v63  }
0x32: {  	_ =	swait.ge [sflag:s17], $0x4000  }
0x33: {  	[sflag:s17] =	ssyncset.done $0x0  }
0x34: {  	[sflag:s17] =	ssyncadd.s32 $0xFFFFC000  }
0x35: {  	[spmem:s12] =	stream.linear.scatter [tilespmem:s16], [sflag:$0x2], $0x4000, $0x38;
	[tilespmem:$0x1F000] =	vst v63  }
0x36: {  	_ =	swait.ge [sflag:s17], $0x4000  }
0x37: {  	[sflag:s17] =	ssyncset.done $0x0  }
0x38: {  	s18 =	simm.s32 $0x800;
	[sflag:s17] =	ssyncadd.s32 $0xFFFFC000  }
0x39: {  	[tilespmem:s18], [sflag:$0x2] =	stream.linear.gather [hbm4b:s13+s31], $0x2800, $0x38;
	[tilespmem:$0x1F000] =	vst v63  }
0x3a: {  	_ =	swait.ge [sflag:s17], $0x2800  }
0x3b: {  	[sflag:s17] =	ssyncset.done $0x0  }
0x3c: {  	[sflag:s17] =	ssyncadd.s32 $0xFFFFD800  }
0x3d: {  	s0 =	simm.s32 $0x0;
	[bflag:$0x0] =	sbarrier.arrive $0xFFFF  }
.LBB2_4:
0x3e: {  	s18 =	sshll.u32 s0, $0xA  }
0x3f: {  	s3 =	sadd.s32 s8, s18  }
0x40: {  	s3 =	sshrl.u32 s3, $0x3  }
0x41: {  	s9 =	sadd.s32 s5, s3  }
0x42: {  	[tilespmem:s31], [sflag:$0x2] =	stream.linear.gather [hbm4b:s9+s31], $0x400, $0x38;
	[tilespmem:$0x1F000] =	vst v63  }
0x43: {  	_ =	swait.ge [sflag:s17], $0x400  }
0x44: {  	[sflag:s17] =	ssyncset.done $0x0  }
0x45: {  	s3 =	sadd.s32 s7, s3;
	[sflag:s17] =	ssyncadd.s32 $0xFFFFFC00  }
0x46: {  	[tilespmem:s19], [sflag:$0x2] =	stream.linear.gather [hbm4b:s3+s31], $0x400, $0x38;
	[tilespmem:$0x1F000] =	vst v63  }
0x47: {  	_ =	swait.ge [sflag:s17], $0x400  }
0x48: {  	[sflag:s17] =	ssyncset.done $0x0  }
0x49: {  	[sflag:s17] =	ssyncadd.s32 $0xFFFFFC00  }
0x4a: {  	[tilespmem:s21], [sflag:$0x1] =	stream.indirect.gather [hbm4b:s1+s20], $0x40, s31, s20, $0xb8;
	[tilespmem:$0x1F000] =	vst v63  }
0x4b: {  	v1 =	vmov s31;
	_ =	swait.ge [sflag:s22], $0x2000  }
0x4c: {  	[sflag:s22] =	ssyncset.done $0x0  }
0x4d: {  	s3 =	simm.s32 $0x3020;
	[sflag:s22] =	ssyncadd.s32 $0xFFFFE000  }
0x4e: {  	[tilespmem:s23], [sflag:$0x1] =	stream.indirect.gather [hbm4b:s1+s20], $0x40, s20, s20, $0xb8;
	[tilespmem:$0x1F000] =	vst v63  }
0x4f: {  	v2 =	vld [tilespmem:s3+$0xFFFFFFE0]  }
0x50: {  	v1 =	vld.idx.msk [tilespmem:v1+s19+$0x0], $0xffff;
	_ =	sdelay $0x3  }
0x51: {  	v3 =	vunpack.i.l.bf16.f32 v2  }
0x52: {  	v2 =	vunpack.i.u.bf16.f32 v2;
	v3 =	vmul.f32 v3, v1  }
0x53: {  	s9 =	simm.s32 $0x7040;
	v2 =	vmul.f32 v2, v1  }
0x54: {  	[tilespmem:s9+$0xFFFFFFC0] =	vst v3  }
0x55: {  	[tilespmem:s9+$0x0] =	vst v2  }
0x56: {  	v2 =	vld [tilespmem:s3+$0xFFFFFFF0];
	_ =	sdelay $0x4  }
0x57: {  	v3 =	vunpack.i.l.bf16.f32 v2  }
0x58: {  	v2 =	vunpack.i.u.bf16.f32 v2;
	v3 =	vmul.f32 v3, v1  }
0x59: {  	v2 =	vmul.f32 v2, v1  }
0x5a: {  	[tilespmem:s9+$0xFFFFFFD0] =	vst v3  }
0x5b: {  	[tilespmem:s9+$0x10] =	vst v2  }
0x5c: {  	v2 =	vld [tilespmem:s3+$0x0];
	_ =	sdelay $0x4  }
0x5d: {  	v3 =	vunpack.i.l.bf16.f32 v2  }
0x5e: {  	v2 =	vunpack.i.u.bf16.f32 v2;
	v3 =	vmul.f32 v3, v1  }
0x5f: {  	v2 =	vmul.f32 v2, v1  }
0x60: {  	[tilespmem:s9+$0xFFFFFFE0] =	vst v3  }
0x61: {  	[tilespmem:s9+$0x20] =	vst v2  }
0x62: {  	s11 =	simm.s32 $0x1;
	s10 =	simm.s32 $0x7040;
	v2 =	vld [tilespmem:s3+$0x10]  }
.LBB2_5:
0x63: {  	_ =	sdelay $0x3  }
0x64: {  	p0 =	sne.s32 s11, $0x7F;
	s9 =	sadd.s32 $0x80, s9;
	s3 =	sadd.s32 $0x40, s3;
	v3 =	vunpack.i.u.bf16.f32 v2;
	v2 =	vunpack.i.l.bf16.f32 v2  }
0x65: {  	v4 =	vmov s11;
	s11 =	sadd.s32 $0x1, s11;
	v2 =	vmul.f32 v2, v1;
	v1 =	vmul.f32 v3, v1;
	_ =	sdelay $0x1  }
0x66: {  	[tilespmem:s10+$0xFFFFFFF0] =	vst v2  }
0x67: {  	[tilespmem:s10+$0x30] =	vst v1;
	s10 =	smov.u32 s9  }
0x68: {  	v2 =	vld [tilespmem:s3+$0xFFFFFFE0]  }
0x69: {  	v1 =	vld.idx.msk [tilespmem:v4+s19+$0x0], $0xffff;
	_ =	sdelay $0x4  }
0x6a: {  	v3 =	vunpack.i.u.bf16.f32 v2;
	v2 =	vunpack.i.l.bf16.f32 v2  }
0x6b: {  	v2 =	vmul.f32 v2, v1;
	v3 =	vmul.f32 v3, v1;
	_ =	sdelay $0x1  }
0x6c: {  	[tilespmem:s9+$0xFFFFFFC0] =	vst v2  }
0x6d: {  	[tilespmem:s9+$0x0] =	vst v3  }
0x6e: {  	v2 =	vld [tilespmem:s3+$0xFFFFFFF0];
	_ =	sdelay $0x4  }
0x6f: {  	v3 =	vunpack.i.u.bf16.f32 v2;
	v2 =	vunpack.i.l.bf16.f32 v2  }
0x70: {  	v2 =	vmul.f32 v2, v1;
	v3 =	vmul.f32 v3, v1;
	_ =	sdelay $0x1  }
0x71: {  	[tilespmem:s9+$0xFFFFFFD0] =	vst v2  }
0x72: {  	[tilespmem:s9+$0x10] =	vst v3  }
0x73: {  	v2 =	vld [tilespmem:s3+$0x0];
	_ =	sdelay $0x4  }
0x74: {  	v3 =	vunpack.i.u.bf16.f32 v2;
	v2 =	vunpack.i.l.bf16.f32 v2  }
.Ltmp1:
0x75: {  	v2 =	vmul.f32 v2, v1;
	v3 =	vmul.f32 v3, v1;
	(pc) =	sbr.rel @p0 .LBB2_5-.Ltmp1, $4  }
0x76: {  	_ = 	snop  }
0x77: {  	[tilespmem:s9+$0xFFFFFFE0] =	vst v2  }
0x78: {  	[tilespmem:s9+$0x20] =	vst v3  }
0x79: {  	v2 =	vld [tilespmem:s3+$0x10]  }
0x7a: {  	_ =	sdelay $0x3  }
0x7b: {  	v3 =	vunpack.i.l.bf16.f32 v2  }
0x7c: {  	v2 =	vunpack.i.u.bf16.f32 v2;
	v3 =	vmul.f32 v3, v1  }
0x7d: {  	v1 =	vmul.f32 v2, v1  }
0x7e: {  	s18 =	sand.u32 $0x3FFFFC00, s18;
	[tilespmem:s10+$0xFFFFFFF0] =	vst v3  }
0x7f: {  	s9 =	simm.s32 $0x80;
	s3 =	sadd.s32 $0x800, s18;
	[tilespmem:s10+$0x30] =	vst v1  }
0x80: {  	[spmem:s2] =	stream.indirect.scatter.add.f32 [tilespmem:s16], [sflag:$0x2], $0x80, s3, s9, $0xb8;
	[tilespmem:$0x1F000] =	vst v63  }
0x81: {  	_ =	swait.ge [sflag:s17], $0x4000  }
0x82: {  	[sflag:s17] =	ssyncset.done $0x0  }
0x83: {  	[sflag:s17] =	ssyncadd.s32 $0xFFFFC000  }
0x84: {  	v1 =	vmov s9;
	_ =	swait.ge [sflag:s22], $0x2000  }
0x85: {  	[sflag:s22] =	ssyncset.done $0x0  }
0x86: {  	s3 =	simm.s32 $0x5020;
	[sflag:s22] =	ssyncadd.s32 $0xFFFFE000  }
0x87: {  	[tilespmem:s21], [sflag:$0x1] =	stream.indirect.gather [hbm4b:s1+s9], $0x40, s24, s9, $0xb8;
	[tilespmem:$0x1F000] =	vst v63  }
0x88: {  	v2 =	vld [tilespmem:s3+$0xFFFFFFE0]  }
0x89: {  	v1 =	vld.idx.msk [tilespmem:v1+s19+$0x0], $0xffff;
	_ =	sdelay $0x3  }
0x8a: {  	v3 =	vunpack.i.l.bf16.f32 v2  }
0x8b: {  	v2 =	vunpack.i.u.bf16.f32 v2;
	v3 =	vmul.f32 v3, v1  }
0x8c: {  	s9 =	simm.s32 $0x7040;
	v2 =	vmul.f32 v2, v1  }
0x8d: {  	[tilespmem:s9+$0xFFFFFFC0] =	vst v3  }
0x8e: {  	[tilespmem:s9+$0x0] =	vst v2  }
0x8f: {  	v2 =	vld [tilespmem:s3+$0xFFFFFFF0];
	_ =	sdelay $0x4  }
0x90: {  	v3 =	vunpack.i.l.bf16.f32 v2  }
0x91: {  	v2 =	vunpack.i.u.bf16.f32 v2;
	v3 =	vmul.f32 v3, v1  }
0x92: {  	v2 =	vmul.f32 v2, v1  }
0x93: {  	[tilespmem:s9+$0xFFFFFFD0] =	vst v3  }
0x94: {  	[tilespmem:s9+$0x10] =	vst v2  }
0x95: {  	v2 =	vld [tilespmem:s3+$0x0];
	_ =	sdelay $0x4  }
0x96: {  	v3 =	vunpack.i.l.bf16.f32 v2  }
0x97: {  	v2 =	vunpack.i.u.bf16.f32 v2;
	v3 =	vmul.f32 v3, v1  }
0x98: {  	v2 =	vmul.f32 v2, v1  }
0x99: {  	[tilespmem:s9+$0xFFFFFFE0] =	vst v3  }
0x9a: {  	[tilespmem:s9+$0x20] =	vst v2  }
0x9b: {  	s11 =	simm.s32 $0x81;
	s10 =	simm.s32 $0x7040;
	v2 =	vld [tilespmem:s3+$0x10]  }
.LBB2_7:
0x9c: {  	_ =	sdelay $0x3  }
0x9d: {  	p0 =	sne.s32 s11, $0xFF;
	s9 =	sadd.s32 $0x80, s9;
	s3 =	sadd.s32 $0x40, s3;
	v3 =	vunpack.i.u.bf16.f32 v2;
	v2 =	vunpack.i.l.bf16.f32 v2  }
0x9e: {  	v4 =	vmov s11;
	s11 =	sadd.s32 $0x1, s11;
	v2 =	vmul.f32 v2, v1;
	v1 =	vmul.f32 v3, v1;
	_ =	sdelay $0x1  }
0x9f: {  	[tilespmem:s10+$0xFFFFFFF0] =	vst v2  }
0xa0: {  	[tilespmem:s10+$0x30] =	vst v1;
	s10 =	smov.u32 s9  }
0xa1: {  	v2 =	vld [tilespmem:s3+$0xFFFFFFE0]  }
0xa2: {  	v1 =	vld.idx.msk [tilespmem:v4+s19+$0x0], $0xffff;
	_ =	sdelay $0x4  }
0xa3: {  	v3 =	vunpack.i.u.bf16.f32 v2;
	v2 =	vunpack.i.l.bf16.f32 v2  }
0xa4: {  	v2 =	vmul.f32 v2, v1;
	v3 =	vmul.f32 v3, v1;
	_ =	sdelay $0x1  }
0xa5: {  	[tilespmem:s9+$0xFFFFFFC0] =	vst v2  }
0xa6: {  	[tilespmem:s9+$0x0] =	vst v3  }
0xa7: {  	v2 =	vld [tilespmem:s3+$0xFFFFFFF0];
	_ =	sdelay $0x4  }
0xa8: {  	v3 =	vunpack.i.u.bf16.f32 v2;
	v2 =	vunpack.i.l.bf16.f32 v2  }
0xa9: {  	v2 =	vmul.f32 v2, v1;
	v3 =	vmul.f32 v3, v1;
	_ =	sdelay $0x1  }
0xaa: {  	[tilespmem:s9+$0xFFFFFFD0] =	vst v2  }
0xab: {  	[tilespmem:s9+$0x10] =	vst v3  }
0xac: {  	v2 =	vld [tilespmem:s3+$0x0];
	_ =	sdelay $0x4  }
0xad: {  	v3 =	vunpack.i.u.bf16.f32 v2;
	v2 =	vunpack.i.l.bf16.f32 v2  }
.Ltmp2:
0xae: {  	v2 =	vmul.f32 v2, v1;
	v3 =	vmul.f32 v3, v1;
	(pc) =	sbr.rel @p0 .LBB2_7-.Ltmp2, $4  }
0xaf: {  	_ = 	snop  }
0xb0: {  	[tilespmem:s9+$0xFFFFFFE0] =	vst v2  }
0xb1: {  	[tilespmem:s9+$0x20] =	vst v3  }
0xb2: {  	v2 =	vld [tilespmem:s3+$0x10]  }
0xb3: {  	_ =	sdelay $0x3  }
0xb4: {  	v3 =	vunpack.i.l.bf16.f32 v2  }
0xb5: {  	v2 =	vunpack.i.u.bf16.f32 v2;
	v3 =	vmul.f32 v3, v1  }
0xb6: {  	v1 =	vmul.f32 v2, v1  }
0xb7: {  	[tilespmem:s10+$0xFFFFFFF0] =	vst v3  }
0xb8: {  	s3 =	sadd.s32 $0x880, s18;
	[tilespmem:s10+$0x30] =	vst v1  }
0xb9: {  	[spmem:s2] =	stream.indirect.scatter.add.f32 [tilespmem:s16], [sflag:$0x2], $0x80, s3, s20, $0xb8;
	[tilespmem:$0x1F000] =	vst v63  }
0xba: {  	_ =	swait.ge [sflag:s17], $0x4000  }
0xbb: {  	[sflag:s17] =	ssyncset.done $0x0  }
0xbc: {  	s11 =	simm.s32 $0x100;
	[sflag:s17] =	ssyncadd.s32 $0xFFFFC000  }
0xbd: {  	v1 =	vmov s11;
	_ =	swait.ge [sflag:s22], $0x2000  }
0xbe: {  	[sflag:s22] =	ssyncset.done $0x0  }
0xbf: {  	s3 =	simm.s32 $0x3020;
	[sflag:s22] =	ssyncadd.s32 $0xFFFFE000  }
0xc0: {  	[tilespmem:s23], [sflag:$0x1] =	stream.indirect.gather [hbm4b:s1+s20], $0x40, s25, s20, $0xb8;
	[tilespmem:$0x1F000] =	vst v63  }
0xc1: {  	v2 =	vld [tilespmem:s3+$0xFFFFFFE0]  }
0xc2: {  	v1 =	vld.idx.msk [tilespmem:v1+s19+$0x0], $0xffff;
	_ =	sdelay $0x3  }
0xc3: {  	v3 =	vunpack.i.l.bf16.f32 v2  }
0xc4: {  	v2 =	vunpack.i.u.bf16.f32 v2;
	v3 =	vmul.f32 v3, v1  }
0xc5: {  	s9 =	simm.s32 $0x7040;
	v2 =	vmul.f32 v2, v1  }
0xc6: {  	[tilespmem:s9+$0xFFFFFFC0] =	vst v3  }
0xc7: {  	[tilespmem:s9+$0x0] =	vst v2  }
0xc8: {  	v2 =	vld [tilespmem:s3+$0xFFFFFFF0];
	_ =	sdelay $0x4  }
0xc9: {  	v3 =	vunpack.i.l.bf16.f32 v2  }
0xca: {  	v2 =	vunpack.i.u.bf16.f32 v2;
	v3 =	vmul.f32 v3, v1  }
0xcb: {  	v2 =	vmul.f32 v2, v1  }
0xcc: {  	[tilespmem:s9+$0xFFFFFFD0] =	vst v3  }
0xcd: {  	[tilespmem:s9+$0x10] =	vst v2  }
0xce: {  	v2 =	vld [tilespmem:s3+$0x0];
	_ =	sdelay $0x4  }
0xcf: {  	v3 =	vunpack.i.l.bf16.f32 v2  }
0xd0: {  	v2 =	vunpack.i.u.bf16.f32 v2;
	v3 =	vmul.f32 v3, v1  }
0xd1: {  	v2 =	vmul.f32 v2, v1  }
0xd2: {  	[tilespmem:s9+$0xFFFFFFE0] =	vst v3  }
0xd3: {  	[tilespmem:s9+$0x20] =	vst v2  }
0xd4: {  	s11 =	simm.s32 $0x101;
	s10 =	simm.s32 $0x7040;
	v2 =	vld [tilespmem:s3+$0x10]  }
.LBB2_9:
0xd5: {  	_ =	sdelay $0x3  }
0xd6: {  	p0 =	sne.s32 s11, $0x17F;
	s9 =	sadd.s32 $0x80, s9;
	s3 =	sadd.s32 $0x40, s3;
	v3 =	vunpack.i.u.bf16.f32 v2;
	v2 =	vunpack.i.l.bf16.f32 v2  }
0xd7: {  	v4 =	vmov s11;
	s11 =	sadd.s32 $0x1, s11;
	v2 =	vmul.f32 v2, v1;
	v1 =	vmul.f32 v3, v1;
	_ =	sdelay $0x1  }
0xd8: {  	[tilespmem:s10+$0xFFFFFFF0] =	vst v2  }
0xd9: {  	[tilespmem:s10+$0x30] =	vst v1;
	s10 =	smov.u32 s9  }
0xda: {  	v2 =	vld [tilespmem:s3+$0xFFFFFFE0]  }
0xdb: {  	v1 =	vld.idx.msk [tilespmem:v4+s19+$0x0], $0xffff;
	_ =	sdelay $0x4  }
0xdc: {  	v3 =	vunpack.i.u.bf16.f32 v2;
	v2 =	vunpack.i.l.bf16.f32 v2  }
0xdd: {  	v2 =	vmul.f32 v2, v1;
	v3 =	vmul.f32 v3, v1;
	_ =	sdelay $0x1  }
0xde: {  	[tilespmem:s9+$0xFFFFFFC0] =	vst v2  }
0xdf: {  	[tilespmem:s9+$0x0] =	vst v3  }
0xe0: {  	v2 =	vld [tilespmem:s3+$0xFFFFFFF0];
	_ =	sdelay $0x4  }
0xe1: {  	v3 =	vunpack.i.u.bf16.f32 v2;
	v2 =	vunpack.i.l.bf16.f32 v2  }
0xe2: {  	v2 =	vmul.f32 v2, v1;
	v3 =	vmul.f32 v3, v1;
	_ =	sdelay $0x1  }
0xe3: {  	[tilespmem:s9+$0xFFFFFFD0] =	vst v2  }
0xe4: {  	[tilespmem:s9+$0x10] =	vst v3  }
0xe5: {  	v2 =	vld [tilespmem:s3+$0x0];
	_ =	sdelay $0x4  }
0xe6: {  	v3 =	vunpack.i.u.bf16.f32 v2;
	v2 =	vunpack.i.l.bf16.f32 v2  }
.Ltmp3:
0xe7: {  	v2 =	vmul.f32 v2, v1;
	v3 =	vmul.f32 v3, v1;
	(pc) =	sbr.rel @p0 .LBB2_9-.Ltmp3, $4  }
0xe8: {  	_ = 	snop  }
0xe9: {  	[tilespmem:s9+$0xFFFFFFE0] =	vst v2  }
0xea: {  	[tilespmem:s9+$0x20] =	vst v3  }
0xeb: {  	v2 =	vld [tilespmem:s3+$0x10]  }
0xec: {  	_ =	sdelay $0x3  }
0xed: {  	v3 =	vunpack.i.l.bf16.f32 v2  }
0xee: {  	v2 =	vunpack.i.u.bf16.f32 v2;
	v3 =	vmul.f32 v3, v1  }
0xef: {  	v1 =	vmul.f32 v2, v1  }
0xf0: {  	[tilespmem:s10+$0xFFFFFFF0] =	vst v3  }
0xf1: {  	s3 =	sadd.s32 $0x900, s18;
	[tilespmem:s10+$0x30] =	vst v1  }
0xf2: {  	[spmem:s2] =	stream.indirect.scatter.add.f32 [tilespmem:s16], [sflag:$0x2], $0x80, s3, s20, $0xb8;
	[tilespmem:$0x1F000] =	vst v63  }
0xf3: {  	_ =	swait.ge [sflag:s17], $0x4000  }
0xf4: {  	[sflag:s17] =	ssyncset.done $0x0  }
0xf5: {  	s11 =	simm.s32 $0x180;
	[sflag:s17] =	ssyncadd.s32 $0xFFFFC000  }
0xf6: {  	v1 =	vmov s11;
	_ =	swait.ge [sflag:s22], $0x2000  }
0xf7: {  	[sflag:s22] =	ssyncset.done $0x0  }
0xf8: {  	s3 =	simm.s32 $0x5020;
	[sflag:s22] =	ssyncadd.s32 $0xFFFFE000  }
0xf9: {  	[tilespmem:s21], [sflag:$0x1] =	stream.indirect.gather [hbm4b:s1+s20], $0x40, s26, s20, $0xb8;
	[tilespmem:$0x1F000] =	vst v63  }
0xfa: {  	v2 =	vld [tilespmem:s3+$0xFFFFFFE0]  }
0xfb: {  	v1 =	vld.idx.msk [tilespmem:v1+s19+$0x0], $0xffff;
	_ =	sdelay $0x3  }
0xfc: {  	v3 =	vunpack.i.l.bf16.f32 v2  }
0xfd: {  	v2 =	vunpack.i.u.bf16.f32 v2;
	v3 =	vmul.f32 v3, v1  }
0xfe: {  	s9 =	simm.s32 $0x7040;
	v2 =	vmul.f32 v2, v1  }
0xff: {  	[tilespmem:s9+$0xFFFFFFC0] =	vst v3  }
0x100: {  	[tilespmem:s9+$0x0] =	vst v2  }
0x101: {  	v2 =	vld [tilespmem:s3+$0xFFFFFFF0];
	_ =	sdelay $0x4  }
0x102: {  	v3 =	vunpack.i.l.bf16.f32 v2  }
0x103: {  	v2 =	vunpack.i.u.bf16.f32 v2;
	v3 =	vmul.f32 v3, v1  }
0x104: {  	v2 =	vmul.f32 v2, v1  }
0x105: {  	[tilespmem:s9+$0xFFFFFFD0] =	vst v3  }
0x106: {  	[tilespmem:s9+$0x10] =	vst v2  }
0x107: {  	v2 =	vld [tilespmem:s3+$0x0];
	_ =	sdelay $0x4  }
0x108: {  	v3 =	vunpack.i.l.bf16.f32 v2  }
0x109: {  	v2 =	vunpack.i.u.bf16.f32 v2;
	v3 =	vmul.f32 v3, v1  }
0x10a: {  	v2 =	vmul.f32 v2, v1  }
0x10b: {  	[tilespmem:s9+$0xFFFFFFE0] =	vst v3  }
0x10c: {  	[tilespmem:s9+$0x20] =	vst v2  }
0x10d: {  	s11 =	simm.s32 $0x181;
	s10 =	simm.s32 $0x7040;
	v2 =	vld [tilespmem:s3+$0x10]  }
.LBB2_11:
0x10e: {  	_ =	sdelay $0x3  }
0x10f: {  	p0 =	sne.s32 s11, $0x1FF;
	s9 =	sadd.s32 $0x80, s9;
	s3 =	sadd.s32 $0x40, s3;
	v3 =	vunpack.i.u.bf16.f32 v2;
	v2 =	vunpack.i.l.bf16.f32 v2  }
0x110: {  	v4 =	vmov s11;
	s11 =	sadd.s32 $0x1, s11;
	v2 =	vmul.f32 v2, v1;
	v1 =	vmul.f32 v3, v1;
	_ =	sdelay $0x1  }
0x111: {  	[tilespmem:s10+$0xFFFFFFF0] =	vst v2  }
0x112: {  	[tilespmem:s10+$0x30] =	vst v1;
	s10 =	smov.u32 s9  }
0x113: {  	v2 =	vld [tilespmem:s3+$0xFFFFFFE0]  }
0x114: {  	v1 =	vld.idx.msk [tilespmem:v4+s19+$0x0], $0xffff;
	_ =	sdelay $0x4  }
0x115: {  	v3 =	vunpack.i.u.bf16.f32 v2;
	v2 =	vunpack.i.l.bf16.f32 v2  }
0x116: {  	v2 =	vmul.f32 v2, v1;
	v3 =	vmul.f32 v3, v1;
	_ =	sdelay $0x1  }
0x117: {  	[tilespmem:s9+$0xFFFFFFC0] =	vst v2  }
0x118: {  	[tilespmem:s9+$0x0] =	vst v3  }
0x119: {  	v2 =	vld [tilespmem:s3+$0xFFFFFFF0];
	_ =	sdelay $0x4  }
0x11a: {  	v3 =	vunpack.i.u.bf16.f32 v2;
	v2 =	vunpack.i.l.bf16.f32 v2  }
0x11b: {  	v2 =	vmul.f32 v2, v1;
	v3 =	vmul.f32 v3, v1;
	_ =	sdelay $0x1  }
0x11c: {  	[tilespmem:s9+$0xFFFFFFD0] =	vst v2  }
0x11d: {  	[tilespmem:s9+$0x10] =	vst v3  }
0x11e: {  	v2 =	vld [tilespmem:s3+$0x0];
	_ =	sdelay $0x4  }
0x11f: {  	v3 =	vunpack.i.u.bf16.f32 v2;
	v2 =	vunpack.i.l.bf16.f32 v2  }
.Ltmp4:
0x120: {  	v2 =	vmul.f32 v2, v1;
	v3 =	vmul.f32 v3, v1;
	(pc) =	sbr.rel @p0 .LBB2_11-.Ltmp4, $4  }
0x121: {  	_ = 	snop  }
0x122: {  	[tilespmem:s9+$0xFFFFFFE0] =	vst v2  }
0x123: {  	[tilespmem:s9+$0x20] =	vst v3  }
0x124: {  	v2 =	vld [tilespmem:s3+$0x10]  }
0x125: {  	_ =	sdelay $0x3  }
0x126: {  	v3 =	vunpack.i.l.bf16.f32 v2  }
0x127: {  	v2 =	vunpack.i.u.bf16.f32 v2;
	v3 =	vmul.f32 v3, v1  }
0x128: {  	v1 =	vmul.f32 v2, v1  }
0x129: {  	[tilespmem:s10+$0xFFFFFFF0] =	vst v3  }
0x12a: {  	s3 =	sadd.s32 $0x980, s18;
	[tilespmem:s10+$0x30] =	vst v1  }
0x12b: {  	[spmem:s2] =	stream.indirect.scatter.add.f32 [tilespmem:s16], [sflag:$0x2], $0x80, s3, s20, $0xb8;
	[tilespmem:$0x1F000] =	vst v63  }
0x12c: {  	_ =	swait.ge [sflag:s17], $0x4000  }
0x12d: {  	[sflag:s17] =	ssyncset.done $0x0  }
0x12e: {  	s11 =	simm.s32 $0x200;
	[sflag:s17] =	ssyncadd.s32 $0xFFFFC000  }
0x12f: {  	v1 =	vmov s11;
	_ =	swait.ge [sflag:s22], $0x2000  }
0x130: {  	[sflag:s22] =	ssyncset.done $0x0  }
0x131: {  	s3 =	simm.s32 $0x3020;
	[sflag:s22] =	ssyncadd.s32 $0xFFFFE000  }
0x132: {  	[tilespmem:s23], [sflag:$0x1] =	stream.indirect.gather [hbm4b:s1+s20], $0x40, s28, s20, $0xb8;
	[tilespmem:$0x1F000] =	vst v63  }
0x133: {  	v2 =	vld [tilespmem:s3+$0xFFFFFFE0]  }
0x134: {  	v1 =	vld.idx.msk [tilespmem:v1+s19+$0x0], $0xffff;
	_ =	sdelay $0x3  }
0x135: {  	v3 =	vunpack.i.l.bf16.f32 v2  }
0x136: {  	v2 =	vunpack.i.u.bf16.f32 v2;
	v3 =	vmul.f32 v3, v1  }
0x137: {  	s9 =	simm.s32 $0x7040;
	v2 =	vmul.f32 v2, v1  }
0x138: {  	[tilespmem:s9+$0xFFFFFFC0] =	vst v3  }
0x139: {  	[tilespmem:s9+$0x0] =	vst v2  }
0x13a: {  	v2 =	vld [tilespmem:s3+$0xFFFFFFF0];
	_ =	sdelay $0x4  }
0x13b: {  	v3 =	vunpack.i.l.bf16.f32 v2  }
0x13c: {  	v2 =	vunpack.i.u.bf16.f32 v2;
	v3 =	vmul.f32 v3, v1  }
0x13d: {  	v2 =	vmul.f32 v2, v1  }
0x13e: {  	[tilespmem:s9+$0xFFFFFFD0] =	vst v3  }
0x13f: {  	[tilespmem:s9+$0x10] =	vst v2  }
0x140: {  	v2 =	vld [tilespmem:s3+$0x0];
	_ =	sdelay $0x4  }
0x141: {  	v3 =	vunpack.i.l.bf16.f32 v2  }
0x142: {  	v2 =	vunpack.i.u.bf16.f32 v2;
	v3 =	vmul.f32 v3, v1  }
0x143: {  	v2 =	vmul.f32 v2, v1  }
0x144: {  	[tilespmem:s9+$0xFFFFFFE0] =	vst v3  }
0x145: {  	[tilespmem:s9+$0x20] =	vst v2  }
0x146: {  	s11 =	simm.s32 $0x201;
	s10 =	simm.s32 $0x7040;
	v2 =	vld [tilespmem:s3+$0x10]  }
.LBB2_13:
0x147: {  	_ =	sdelay $0x3  }
0x148: {  	p0 =	sne.s32 s11, $0x27F;
	s9 =	sadd.s32 $0x80, s9;
	s3 =	sadd.s32 $0x40, s3;
	v3 =	vunpack.i.u.bf16.f32 v2;
	v2 =	vunpack.i.l.bf16.f32 v2  }
0x149: {  	v4 =	vmov s11;
	s11 =	sadd.s32 $0x1, s11;
	v2 =	vmul.f32 v2, v1;
	v1 =	vmul.f32 v3, v1;
	_ =	sdelay $0x1  }
0x14a: {  	[tilespmem:s10+$0xFFFFFFF0] =	vst v2  }
0x14b: {  	[tilespmem:s10+$0x30] =	vst v1;
	s10 =	smov.u32 s9  }
0x14c: {  	v2 =	vld [tilespmem:s3+$0xFFFFFFE0]  }
0x14d: {  	v1 =	vld.idx.msk [tilespmem:v4+s19+$0x0], $0xffff;
	_ =	sdelay $0x4  }
0x14e: {  	v3 =	vunpack.i.u.bf16.f32 v2;
	v2 =	vunpack.i.l.bf16.f32 v2  }
0x14f: {  	v2 =	vmul.f32 v2, v1;
	v3 =	vmul.f32 v3, v1;
	_ =	sdelay $0x1  }
0x150: {  	[tilespmem:s9+$0xFFFFFFC0] =	vst v2  }
0x151: {  	[tilespmem:s9+$0x0] =	vst v3  }
0x152: {  	v2 =	vld [tilespmem:s3+$0xFFFFFFF0];
	_ =	sdelay $0x4  }
0x153: {  	v3 =	vunpack.i.u.bf16.f32 v2;
	v2 =	vunpack.i.l.bf16.f32 v2  }
0x154: {  	v2 =	vmul.f32 v2, v1;
	v3 =	vmul.f32 v3, v1;
	_ =	sdelay $0x1  }
0x155: {  	[tilespmem:s9+$0xFFFFFFD0] =	vst v2  }
0x156: {  	[tilespmem:s9+$0x10] =	vst v3  }
0x157: {  	v2 =	vld [tilespmem:s3+$0x0];
	_ =	sdelay $0x4  }
0x158: {  	v3 =	vunpack.i.u.bf16.f32 v2;
	v2 =	vunpack.i.l.bf16.f32 v2  }
.Ltmp5:
0x159: {  	v2 =	vmul.f32 v2, v1;
	v3 =	vmul.f32 v3, v1;
	(pc) =	sbr.rel @p0 .LBB2_13-.Ltmp5, $4  }
0x15a: {  	_ = 	snop  }
0x15b: {  	[tilespmem:s9+$0xFFFFFFE0] =	vst v2  }
0x15c: {  	[tilespmem:s9+$0x20] =	vst v3  }
0x15d: {  	v2 =	vld [tilespmem:s3+$0x10]  }
0x15e: {  	_ =	sdelay $0x3  }
0x15f: {  	v3 =	vunpack.i.l.bf16.f32 v2  }
0x160: {  	v2 =	vunpack.i.u.bf16.f32 v2;
	v3 =	vmul.f32 v3, v1  }
0x161: {  	v1 =	vmul.f32 v2, v1  }
0x162: {  	[tilespmem:s10+$0xFFFFFFF0] =	vst v3  }
0x163: {  	s3 =	sadd.s32 $0xA00, s18;
	[tilespmem:s10+$0x30] =	vst v1  }
0x164: {  	[spmem:s2] =	stream.indirect.scatter.add.f32 [tilespmem:s16], [sflag:$0x2], $0x80, s3, s20, $0xb8;
	[tilespmem:$0x1F000] =	vst v63  }
0x165: {  	_ =	swait.ge [sflag:s17], $0x4000  }
0x166: {  	[sflag:s17] =	ssyncset.done $0x0  }
0x167: {  	s11 =	simm.s32 $0x280;
	[sflag:s17] =	ssyncadd.s32 $0xFFFFC000  }
0x168: {  	v1 =	vmov s11;
	_ =	swait.ge [sflag:s22], $0x2000  }
0x169: {  	[sflag:s22] =	ssyncset.done $0x0  }
0x16a: {  	s3 =	simm.s32 $0x5020;
	[sflag:s22] =	ssyncadd.s32 $0xFFFFE000  }
0x16b: {  	[tilespmem:s21], [sflag:$0x1] =	stream.indirect.gather [hbm4b:s1+s20], $0x40, s29, s20, $0xb8;
	[tilespmem:$0x1F000] =	vst v63  }
0x16c: {  	v2 =	vld [tilespmem:s3+$0xFFFFFFE0]  }
0x16d: {  	v1 =	vld.idx.msk [tilespmem:v1+s19+$0x0], $0xffff;
	_ =	sdelay $0x3  }
0x16e: {  	v3 =	vunpack.i.l.bf16.f32 v2  }
0x16f: {  	v2 =	vunpack.i.u.bf16.f32 v2;
	v3 =	vmul.f32 v3, v1  }
0x170: {  	s9 =	simm.s32 $0x7040;
	v2 =	vmul.f32 v2, v1  }
0x171: {  	[tilespmem:s9+$0xFFFFFFC0] =	vst v3  }
0x172: {  	[tilespmem:s9+$0x0] =	vst v2  }
0x173: {  	v2 =	vld [tilespmem:s3+$0xFFFFFFF0];
	_ =	sdelay $0x4  }
0x174: {  	v3 =	vunpack.i.l.bf16.f32 v2  }
0x175: {  	v2 =	vunpack.i.u.bf16.f32 v2;
	v3 =	vmul.f32 v3, v1  }
0x176: {  	v2 =	vmul.f32 v2, v1  }
0x177: {  	[tilespmem:s9+$0xFFFFFFD0] =	vst v3  }
0x178: {  	[tilespmem:s9+$0x10] =	vst v2  }
0x179: {  	v2 =	vld [tilespmem:s3+$0x0];
	_ =	sdelay $0x4  }
0x17a: {  	v3 =	vunpack.i.l.bf16.f32 v2  }
0x17b: {  	v2 =	vunpack.i.u.bf16.f32 v2;
	v3 =	vmul.f32 v3, v1  }
0x17c: {  	v2 =	vmul.f32 v2, v1  }
0x17d: {  	[tilespmem:s9+$0xFFFFFFE0] =	vst v3  }
0x17e: {  	[tilespmem:s9+$0x20] =	vst v2  }
0x17f: {  	s11 =	simm.s32 $0x281;
	s10 =	simm.s32 $0x7040;
	v2 =	vld [tilespmem:s3+$0x10]  }
.LBB2_15:
0x180: {  	_ =	sdelay $0x3  }
0x181: {  	p0 =	sne.s32 s11, $0x2FF;
	s9 =	sadd.s32 $0x80, s9;
	s3 =	sadd.s32 $0x40, s3;
	v3 =	vunpack.i.u.bf16.f32 v2;
	v2 =	vunpack.i.l.bf16.f32 v2  }
0x182: {  	v4 =	vmov s11;
	s11 =	sadd.s32 $0x1, s11;
	v2 =	vmul.f32 v2, v1;
	v1 =	vmul.f32 v3, v1;
	_ =	sdelay $0x1  }
0x183: {  	[tilespmem:s10+$0xFFFFFFF0] =	vst v2  }
0x184: {  	[tilespmem:s10+$0x30] =	vst v1;
	s10 =	smov.u32 s9  }
0x185: {  	v2 =	vld [tilespmem:s3+$0xFFFFFFE0]  }
0x186: {  	v1 =	vld.idx.msk [tilespmem:v4+s19+$0x0], $0xffff;
	_ =	sdelay $0x4  }
0x187: {  	v3 =	vunpack.i.u.bf16.f32 v2;
	v2 =	vunpack.i.l.bf16.f32 v2  }
0x188: {  	v2 =	vmul.f32 v2, v1;
	v3 =	vmul.f32 v3, v1;
	_ =	sdelay $0x1  }
0x189: {  	[tilespmem:s9+$0xFFFFFFC0] =	vst v2  }
0x18a: {  	[tilespmem:s9+$0x0] =	vst v3  }
0x18b: {  	v2 =	vld [tilespmem:s3+$0xFFFFFFF0];
	_ =	sdelay $0x4  }
0x18c: {  	v3 =	vunpack.i.u.bf16.f32 v2;
	v2 =	vunpack.i.l.bf16.f32 v2  }
0x18d: {  	v2 =	vmul.f32 v2, v1;
	v3 =	vmul.f32 v3, v1;
	_ =	sdelay $0x1  }
0x18e: {  	[tilespmem:s9+$0xFFFFFFD0] =	vst v2  }
0x18f: {  	[tilespmem:s9+$0x10] =	vst v3  }
0x190: {  	v2 =	vld [tilespmem:s3+$0x0];
	_ =	sdelay $0x4  }
0x191: {  	v3 =	vunpack.i.u.bf16.f32 v2;
	v2 =	vunpack.i.l.bf16.f32 v2  }
.Ltmp6:
0x192: {  	v2 =	vmul.f32 v2, v1;
	v3 =	vmul.f32 v3, v1;
	(pc) =	sbr.rel @p0 .LBB2_15-.Ltmp6, $4  }
0x193: {  	_ = 	snop  }
0x194: {  	[tilespmem:s9+$0xFFFFFFE0] =	vst v2  }
0x195: {  	[tilespmem:s9+$0x20] =	vst v3  }
0x196: {  	v2 =	vld [tilespmem:s3+$0x10]  }
0x197: {  	_ =	sdelay $0x3  }
0x198: {  	v3 =	vunpack.i.l.bf16.f32 v2  }
0x199: {  	v2 =	vunpack.i.u.bf16.f32 v2;
	v3 =	vmul.f32 v3, v1  }
0x19a: {  	v1 =	vmul.f32 v2, v1  }
0x19b: {  	[tilespmem:s10+$0xFFFFFFF0] =	vst v3  }
0x19c: {  	s3 =	sadd.s32 $0xA80, s18;
	[tilespmem:s10+$0x30] =	vst v1  }
0x19d: {  	[spmem:s2] =	stream.indirect.scatter.add.f32 [tilespmem:s16], [sflag:$0x2], $0x80, s3, s20, $0xb8;
	[tilespmem:$0x1F000] =	vst v63  }
0x19e: {  	_ =	swait.ge [sflag:s17], $0x4000  }
0x19f: {  	[sflag:s17] =	ssyncset.done $0x0  }
0x1a0: {  	s11 =	simm.s32 $0x300;
	[sflag:s17] =	ssyncadd.s32 $0xFFFFC000  }
0x1a1: {  	v1 =	vmov s11;
	_ =	swait.ge [sflag:s22], $0x2000  }
0x1a2: {  	[sflag:s22] =	ssyncset.done $0x0  }
0x1a3: {  	s3 =	simm.s32 $0x3020;
	[sflag:s22] =	ssyncadd.s32 $0xFFFFE000  }
0x1a4: {  	[tilespmem:s23], [sflag:$0x1] =	stream.indirect.gather [hbm4b:s1+s20], $0x40, s30, s20, $0xb8;
	[tilespmem:$0x1F000] =	vst v63  }
0x1a5: {  	v2 =	vld [tilespmem:s3+$0xFFFFFFE0]  }
0x1a6: {  	v1 =	vld.idx.msk [tilespmem:v1+s19+$0x0], $0xffff;
	_ =	sdelay $0x3  }
0x1a7: {  	v3 =	vunpack.i.l.bf16.f32 v2  }
0x1a8: {  	v2 =	vunpack.i.u.bf16.f32 v2;
	v3 =	vmul.f32 v3, v1  }
0x1a9: {  	s9 =	simm.s32 $0x7040;
	v2 =	vmul.f32 v2, v1  }
0x1aa: {  	[tilespmem:s9+$0xFFFFFFC0] =	vst v3  }
0x1ab: {  	[tilespmem:s9+$0x0] =	vst v2  }
0x1ac: {  	v2 =	vld [tilespmem:s3+$0xFFFFFFF0];
	_ =	sdelay $0x4  }
0x1ad: {  	v3 =	vunpack.i.l.bf16.f32 v2  }
0x1ae: {  	v2 =	vunpack.i.u.bf16.f32 v2;
	v3 =	vmul.f32 v3, v1  }
0x1af: {  	v2 =	vmul.f32 v2, v1  }
0x1b0: {  	[tilespmem:s9+$0xFFFFFFD0] =	vst v3  }
0x1b1: {  	[tilespmem:s9+$0x10] =	vst v2  }
0x1b2: {  	v2 =	vld [tilespmem:s3+$0x0];
	_ =	sdelay $0x4  }
0x1b3: {  	v3 =	vunpack.i.l.bf16.f32 v2  }
0x1b4: {  	v2 =	vunpack.i.u.bf16.f32 v2;
	v3 =	vmul.f32 v3, v1  }
0x1b5: {  	v2 =	vmul.f32 v2, v1  }
0x1b6: {  	[tilespmem:s9+$0xFFFFFFE0] =	vst v3  }
0x1b7: {  	[tilespmem:s9+$0x20] =	vst v2  }
0x1b8: {  	s11 =	simm.s32 $0x301;
	s10 =	simm.s32 $0x7040;
	v2 =	vld [tilespmem:s3+$0x10]  }
.LBB2_17:
0x1b9: {  	_ =	sdelay $0x3  }
0x1ba: {  	p0 =	sne.s32 s11, $0x37F;
	s9 =	sadd.s32 $0x80, s9;
	s3 =	sadd.s32 $0x40, s3;
	v3 =	vunpack.i.u.bf16.f32 v2;
	v2 =	vunpack.i.l.bf16.f32 v2  }
0x1bb: {  	v4 =	vmov s11;
	s11 =	sadd.s32 $0x1, s11;
	v2 =	vmul.f32 v2, v1;
	v1 =	vmul.f32 v3, v1;
	_ =	sdelay $0x1  }
0x1bc: {  	[tilespmem:s10+$0xFFFFFFF0] =	vst v2  }
0x1bd: {  	[tilespmem:s10+$0x30] =	vst v1;
	s10 =	smov.u32 s9  }
0x1be: {  	v2 =	vld [tilespmem:s3+$0xFFFFFFE0]  }
0x1bf: {  	v1 =	vld.idx.msk [tilespmem:v4+s19+$0x0], $0xffff;
	_ =	sdelay $0x4  }
0x1c0: {  	v3 =	vunpack.i.u.bf16.f32 v2;
	v2 =	vunpack.i.l.bf16.f32 v2  }
0x1c1: {  	v2 =	vmul.f32 v2, v1;
	v3 =	vmul.f32 v3, v1;
	_ =	sdelay $0x1  }
0x1c2: {  	[tilespmem:s9+$0xFFFFFFC0] =	vst v2  }
0x1c3: {  	[tilespmem:s9+$0x0] =	vst v3  }
0x1c4: {  	v2 =	vld [tilespmem:s3+$0xFFFFFFF0];
	_ =	sdelay $0x4  }
0x1c5: {  	v3 =	vunpack.i.u.bf16.f32 v2;
	v2 =	vunpack.i.l.bf16.f32 v2  }
0x1c6: {  	v2 =	vmul.f32 v2, v1;
	v3 =	vmul.f32 v3, v1;
	_ =	sdelay $0x1  }
0x1c7: {  	[tilespmem:s9+$0xFFFFFFD0] =	vst v2  }
0x1c8: {  	[tilespmem:s9+$0x10] =	vst v3  }
0x1c9: {  	v2 =	vld [tilespmem:s3+$0x0];
	_ =	sdelay $0x4  }
0x1ca: {  	v3 =	vunpack.i.u.bf16.f32 v2;
	v2 =	vunpack.i.l.bf16.f32 v2  }
.Ltmp7:
0x1cb: {  	v2 =	vmul.f32 v2, v1;
	v3 =	vmul.f32 v3, v1;
	(pc) =	sbr.rel @p0 .LBB2_17-.Ltmp7, $4  }
0x1cc: {  	_ = 	snop  }
0x1cd: {  	[tilespmem:s9+$0xFFFFFFE0] =	vst v2  }
0x1ce: {  	[tilespmem:s9+$0x20] =	vst v3  }
0x1cf: {  	v2 =	vld [tilespmem:s3+$0x10]  }
0x1d0: {  	_ =	sdelay $0x3  }
0x1d1: {  	v3 =	vunpack.i.l.bf16.f32 v2  }
0x1d2: {  	v2 =	vunpack.i.u.bf16.f32 v2;
	v3 =	vmul.f32 v3, v1  }
0x1d3: {  	v1 =	vmul.f32 v2, v1  }
0x1d4: {  	[tilespmem:s10+$0xFFFFFFF0] =	vst v3  }
0x1d5: {  	s3 =	sadd.s32 $0xB00, s18;
	[tilespmem:s10+$0x30] =	vst v1  }
0x1d6: {  	[spmem:s2] =	stream.indirect.scatter.add.f32 [tilespmem:s16], [sflag:$0x2], $0x80, s3, s20, $0xb8;
	[tilespmem:$0x1F000] =	vst v63  }
0x1d7: {  	_ =	swait.ge [sflag:s17], $0x4000  }
0x1d8: {  	s11 =	simm.s32 $0x380;
	[sflag:s17] =	ssyncset.done $0x0  }
0x1d9: {  	v1 =	vmov s11;
	[sflag:s17] =	ssyncadd.s32 $0xFFFFC000  }
0x1da: {  	_ =	swait.ge [sflag:s22], $0x2000  }
0x1db: {  	[sflag:s22] =	ssyncset.done $0x0  }
0x1dc: {  	s3 =	simm.s32 $0x5020;
	[sflag:s22] =	ssyncadd.s32 $0xFFFFE000  }
0x1dd: {  	v2 =	vld [tilespmem:s3+$0xFFFFFFE0]  }
0x1de: {  	v1 =	vld.idx.msk [tilespmem:v1+s19+$0x0], $0xffff;
	_ =	sdelay $0x3  }
0x1df: {  	v3 =	vunpack.i.l.bf16.f32 v2  }
0x1e0: {  	v2 =	vunpack.i.u.bf16.f32 v2;
	v3 =	vmul.f32 v3, v1  }
0x1e1: {  	s9 =	simm.s32 $0x7040;
	v2 =	vmul.f32 v2, v1  }
0x1e2: {  	[tilespmem:s9+$0xFFFFFFC0] =	vst v3  }
0x1e3: {  	[tilespmem:s9+$0x0] =	vst v2  }
0x1e4: {  	v2 =	vld [tilespmem:s3+$0xFFFFFFF0];
	_ =	sdelay $0x4  }
0x1e5: {  	v3 =	vunpack.i.l.bf16.f32 v2  }
0x1e6: {  	v2 =	vunpack.i.u.bf16.f32 v2;
	v3 =	vmul.f32 v3, v1  }
0x1e7: {  	v2 =	vmul.f32 v2, v1  }
0x1e8: {  	[tilespmem:s9+$0xFFFFFFD0] =	vst v3  }
0x1e9: {  	[tilespmem:s9+$0x10] =	vst v2  }
0x1ea: {  	v2 =	vld [tilespmem:s3+$0x0];
	_ =	sdelay $0x4  }
0x1eb: {  	v3 =	vunpack.i.l.bf16.f32 v2  }
0x1ec: {  	v2 =	vunpack.i.u.bf16.f32 v2;
	v3 =	vmul.f32 v3, v1  }
0x1ed: {  	v2 =	vmul.f32 v2, v1  }
0x1ee: {  	[tilespmem:s9+$0xFFFFFFE0] =	vst v3  }
0x1ef: {  	[tilespmem:s9+$0x20] =	vst v2  }
0x1f0: {  	s11 =	simm.s32 $0x381;
	s10 =	simm.s32 $0x7040;
	v2 =	vld [tilespmem:s3+$0x10]  }
.LBB2_19:
0x1f1: {  	_ =	sdelay $0x3  }
0x1f2: {  	p0 =	sne.s32 s11, $0x3FF;
	s9 =	sadd.s32 $0x80, s9;
	s3 =	sadd.s32 $0x40, s3;
	v3 =	vunpack.i.u.bf16.f32 v2;
	v2 =	vunpack.i.l.bf16.f32 v2  }
0x1f3: {  	v4 =	vmov s11;
	s11 =	sadd.s32 $0x1, s11;
	v2 =	vmul.f32 v2, v1;
	v1 =	vmul.f32 v3, v1;
	_ =	sdelay $0x1  }
0x1f4: {  	[tilespmem:s10+$0xFFFFFFF0] =	vst v2  }
0x1f5: {  	[tilespmem:s10+$0x30] =	vst v1;
	s10 =	smov.u32 s9  }
0x1f6: {  	v2 =	vld [tilespmem:s3+$0xFFFFFFE0]  }
0x1f7: {  	v1 =	vld.idx.msk [tilespmem:v4+s19+$0x0], $0xffff;
	_ =	sdelay $0x4  }
0x1f8: {  	v3 =	vunpack.i.u.bf16.f32 v2;
	v2 =	vunpack.i.l.bf16.f32 v2  }
0x1f9: {  	v2 =	vmul.f32 v2, v1;
	v3 =	vmul.f32 v3, v1;
	_ =	sdelay $0x1  }
0x1fa: {  	[tilespmem:s9+$0xFFFFFFC0] =	vst v2  }
0x1fb: {  	[tilespmem:s9+$0x0] =	vst v3  }
0x1fc: {  	v2 =	vld [tilespmem:s3+$0xFFFFFFF0];
	_ =	sdelay $0x4  }
0x1fd: {  	v3 =	vunpack.i.u.bf16.f32 v2;
	v2 =	vunpack.i.l.bf16.f32 v2  }
0x1fe: {  	v2 =	vmul.f32 v2, v1;
	v3 =	vmul.f32 v3, v1;
	_ =	sdelay $0x1  }
0x1ff: {  	[tilespmem:s9+$0xFFFFFFD0] =	vst v2  }
0x200: {  	[tilespmem:s9+$0x10] =	vst v3  }
0x201: {  	v2 =	vld [tilespmem:s3+$0x0];
	_ =	sdelay $0x4  }
0x202: {  	v3 =	vunpack.i.u.bf16.f32 v2;
	v2 =	vunpack.i.l.bf16.f32 v2  }
.Ltmp8:
0x203: {  	v2 =	vmul.f32 v2, v1;
	v3 =	vmul.f32 v3, v1;
	(pc) =	sbr.rel @p0 .LBB2_19-.Ltmp8, $4  }
0x204: {  	_ = 	snop  }
0x205: {  	[tilespmem:s9+$0xFFFFFFE0] =	vst v2  }
0x206: {  	[tilespmem:s9+$0x20] =	vst v3  }
0x207: {  	v2 =	vld [tilespmem:s3+$0x10]  }
0x208: {  	_ =	sdelay $0x3  }
0x209: {  	v3 =	vunpack.i.l.bf16.f32 v2  }
0x20a: {  	v2 =	vunpack.i.u.bf16.f32 v2;
	v3 =	vmul.f32 v3, v1  }
0x20b: {  	s0 =	sadd.s32 $0x1, s0;
	v1 =	vmul.f32 v2, v1  }
0x20c: {  	p0 =	sne.s32 s0, $0xA;
	[tilespmem:s10+$0xFFFFFFF0] =	vst v3  }
.Ltmp9:
0x20d: {  	s3 =	sadd.s32 $0xB80, s18;
	[tilespmem:s10+$0x30] =	vst v1;
	(pc) =	sbr.rel @p0 .LBB2_4-.Ltmp9, $4  }
0x20e: {  	[spmem:s2] =	stream.indirect.scatter.add.f32 [tilespmem:s16], [sflag:$0x2], $0x80, s3, s20, $0xb8;
	[tilespmem:$0x1F000] =	vst v63  }
0x20f: {  	_ =	swait.ge [sflag:s17], $0x4000  }
0x210: {  	[sflag:s17] =	ssyncset.done $0x0  }
0x211: {  	[sflag:s17] =	ssyncadd.s32 $0xFFFFC000  }
0x212: {  	s0 =	stileid.u32;
	s4 =	sadd.s32 $0x1, s4  }
0x213: {  	[bflag:$0x0] =	sbarrier.arrive $0xFFFF;
	s0 =	sshll.u32 s0, $0x6;
	p0 =	sne.s32 s4, s14  }
.Ltmp10:
0x214: {  	s3 =	sshrl.u32 s6, $0x3;
	s0 =	sor.u32 $0x1C02, s0;
	(pc) =	sbr.rel @p0 .LBB2_1-.Ltmp10, $4  }
0x215: {  	[hbm:s15], [sflag:s0] =	dma.local [spmem:s3], $0x2800  }
0x216: {  	_ =	swait.ge [sflag:s17], $0x2800  }
0x217: {  	[sflag:s17] =	ssyncset.done $0x0  }
0x218: {  	[sflag:s17] =	ssyncadd.s32 $0xFFFFD800  }
0x219: {  	_ =	sfence.sel $0x180000  }
0x21a: {  	[bflag:$0x0] =	sbarrier.arrive $0xFFFF  }
0x21b: {  	_ =	strace $0x90000047  }
0x21c: {  	s0 =	stileid.u32;
	[bflag:$0x2] =	sbarrier.arrive $0xFFFF  }
0x21d: {  	p0 =	sne.s32 s0, $0x0;
	s0 =	rddreg [dreg:$0x3]  }
0x21e: {  	s0 =	sadd.s32 @!p0 $0x100000, s0  }
0x21f: {  	[sflag:s0] =	ssyncadd.tile.s32 @!p0 $0x1;
	_ =	shalt  }
.Lfunc_end2:
_tile_overlayer_lowered:
.L_overlay_start_2:
0x220: {  	(tag) =	ssettag $0x2  }
0x221: {  	s0 =	rddreg [dreg:$0x0];
	s2 =	stileid.u32  }
0x222: {  	s1 =	rddreg [dreg:$0x1];
	p0 =	sne.s32 s2, $0x0  }
0x223: {  	s3 =	rddreg [dreg:$0x2];
	[bflag:$0x3] =	sbarrier.arrive $0xFFFF;
	s2 =	simm.s32 @!p0 $0x1C02  }
0x224: {  	[timem:s3], [sflag:s2] =	dma.local @!p0 [hbm:s0], s1  }
0x225: {  	s0 =	simm.s32 @!p0 $0x2  }
0x226: {  	_ =	swait.ge @!p0 [sflag:s0], s1  }
0x227: {  	s1 =	ssub.s32 @!p0 $0x0, s1;
	[sflag:s0] =	ssyncset.done @!p0 $0x0  }
0x228: {  	[sflag:s0] =	ssyncadd.s32 @!p0 s1  }
0x229: {  	[bflag:$0x3] =	sbarrier.arrive $0xFFFF  }
0x22a: {  	_ =	shalt  }

</sc_bundles>
